<compile_context>
chip_gen: v7x
topology: tpu7x:2x2x1
jax: 0.10.2.dev20260603
libtpu: 0.0.44.dev20260713+nightly
codegen_flags: <defaults>
</compile_context>

<pallas_src>
import functools

import jax
import jax.numpy as jnp
from jax import lax
from jax.experimental import pallas as pl
from jax.experimental.pallas import tpu as pltpu
from jax.experimental.pallas import tpu_sc as plsc


def _fused_body(we_ref, x_ref, wg_ref, be_ref, su_ref, lt_ref,
                w4_ref, cnt_ref, bs_ref, *, t, kwe, kpe):
    k = pl.program_id(0)

    @pl.when(k == 0)
    def _init():
        w4_ref[0:2] = jnp.transpose(wg_ref[...])
        w4_ref[2:4] = jnp.zeros_like(w4_ref[2:4])
        cnt_ref[0] = 0.0
        bs_ref[0] = jnp.sum(be_ref[0:1, :])
        bs_ref[1] = jnp.sum(be_ref[1:2, :])

    @pl.when(k < kwe)
    def _accum():
        e = k // kpe
        part = jnp.sum(we_ref[0], axis=0, keepdims=True)
        w4_ref[pl.ds(2 + e, 1)] += part

    @pl.when(k >= kwe)
    def _tokens():
        lt = jax.lax.dot_general(
            w4_ref[...], x_ref[...],
            dimension_numbers=(((1,), (1,)), ((), ())),
            preferred_element_type=jnp.float32)
        m = (lt[1:2] > lt[0:1]).astype(jnp.float32)
        excl = jnp.dot(m, su_ref[...], preferred_element_type=jnp.float32)
        lt_ref[0:2] = lt[0:2]
        lt_ref[2:3] = lt[2:3] + bs_ref[0]
        lt_ref[3:4] = lt[3:4] + bs_ref[1]
        lt_ref[4:5] = excl + cnt_ref[0]
        cnt_ref[0] += jnp.sum(m)


def _sc_route_body(lt_hbm, out_hbm, ltv, valv, *, cap, per_w, nc):
    wid = lax.axis_index("s") * nc + lax.axis_index("c")
    base = wid * per_w

    pltpu.sync_copy(lt_hbm.at[:, pl.ds(base, per_w)], ltv)

    i16 = lax.iota(jnp.int32, 16)
    capf = jnp.float32(cap)
    one = jnp.ones((16,), jnp.float32)
    zero = jnp.zeros((16,), jnp.float32)
    for j in range(per_w // 16):
        sl = pl.ds(16 * j, 16)
        l0 = ltv[0, sl]
        l1 = ltv[1, sl]
        t0 = ltv[2, sl]
        t1 = ltv[3, sl]
        pos1 = ltv[4, sl]
        e1 = l1 > l0
        slin = (base + 16 * j + i16).astype(jnp.float32)
        pos0 = slin - pos1
        pos = jnp.where(e1, pos1, pos0)
        within = jnp.where(pos < capf, one, zero)
        gate = 1.0 / (1.0 + jnp.exp(-jnp.abs(l1 - l0)))
        tsel = jnp.where(e1, t1, t0)
        valv[sl] = gate * within * tsel

    pltpu.sync_copy(valv, out_hbm.at[pl.ds(base, per_w)])


def _lsm_body(v_ref, out_ref):
    v = v_ref[...]
    mx = jnp.max(v, axis=1, keepdims=True)
    lse = jnp.log(jnp.sum(jnp.exp(v - mx), axis=1, keepdims=True)) + mx
    out_ref[...] = v - lse


def kernel(input, wg, We, be):
    B, SEQ, D = input.shape
    E = wg.shape[1]
    S = B * SEQ
    cap = -(-S // E)

    x = input.reshape(S, D)

    F = 512
    KPE = D // F
    KWE = E * KPE
    T = 512
    C = S // T

    ii = lax.broadcasted_iota(jnp.int32, (T, T), 0)
    jj = lax.broadcasted_iota(jnp.int32, (T, T), 1)
    su = (ii < jj).astype(jnp.float32)

    lt = pl.pallas_call(
        functools.partial(_fused_body, t=T, kwe=KWE, kpe=KPE),
        grid=(KWE + C,),
        in_specs=[
            pl.BlockSpec((1, F, D),
                         lambda k: (jnp.minimum(k, KWE - 1) // KPE,
                                    jnp.minimum(k, KWE - 1) % KPE, 0)),
            pl.BlockSpec((T, D), lambda k: (jnp.maximum(k - KWE, 0), 0)),
            pl.BlockSpec((D, E), lambda k: (0, 0)),
            pl.BlockSpec((E, D), lambda k: (0, 0)),
            pl.BlockSpec((T, T), lambda k: (0, 0)),
        ],
        out_specs=pl.BlockSpec((5, T), lambda k: (0, jnp.maximum(k - KWE, 0))),
        out_shape=jax.ShapeDtypeStruct((5, S), jnp.float32),
        scratch_shapes=[
            pltpu.VMEM((4, D), jnp.float32),
            pltpu.SMEM((1,), jnp.float32),
            pltpu.SMEM((2,), jnp.float32),
        ],
    )(We, x, wg, be, su)

    NW = 32
    NC = 2
    per_w = S // NW

    sc_route = functools.partial(
        pl.kernel,
        mesh=plsc.VectorSubcoreMesh(core_axis_name="c", subcore_axis_name="s"),
        out_type=jax.ShapeDtypeStruct((S,), jnp.float32),
        scratch_types=[
            pltpu.VMEM((5, per_w), jnp.float32),
            pltpu.VMEM((per_w,), jnp.float32),
        ],
    )(functools.partial(_sc_route_body, cap=cap, per_w=per_w, nc=NC))

    val = sc_route(lt)

    v = val.reshape(B, SEQ)

    out = pl.pallas_call(
        _lsm_body,
        in_specs=[pl.BlockSpec((B, SEQ), lambda: (0, 0))],
        out_specs=pl.BlockSpec((B, SEQ), lambda: (0, 0)),
        out_shape=jax.ShapeDtypeStruct((B, SEQ), jnp.float32),
    )(v)
    return out

# --- scband reference (transcript-rebuilt; emitter-appended) ---
"""Pipeline reference for scband-example-model-1992864825952 (READ-ONLY COPY).

The authoritative reference and input builder live on the scoring server;
editing this copy changes nothing except your own understanding.
"""

import jax, jax.numpy as jnp
import numpy as np

MODEL_DIM = 2048
NUM_EXPERTS = 2
BATCH = 2
SEQ = 2048


def setup_inputs(seed: int = 0):
    key = jax.random.key(seed)
    k1, k2, k3, k4 = jax.random.split(key, 4)
    inp = jax.random.normal(k1, (BATCH, SEQ, MODEL_DIM), dtype=jnp.float32)
    wg = jax.random.normal(k2, (MODEL_DIM, NUM_EXPERTS), dtype=jnp.float32) * 0.02
    We = jax.random.normal(k3, (NUM_EXPERTS, MODEL_DIM, MODEL_DIM), dtype=jnp.float32) * (1.0 / np.sqrt(MODEL_DIM))
    be = jax.random.normal(k4, (NUM_EXPERTS, MODEL_DIM), dtype=jnp.float32) * 0.01
    return {"input": inp, "wg": wg, "We": We, "be": be}


def _moe_layer(inp, wg, We, be):
    # Faithful Top1Gate MOELayer (fairseq/fairscale style) with capacity = ceil(tokens/experts)
    d = inp.shape[-1]
    x = inp.reshape(-1, d)                      # [S, d]
    S = x.shape[0]
    E = wg.shape[1]
    capacity = int(-(-S // E))                  # ceil(S / E), capacity_factor = 1.0
    logits = x @ wg                             # [S, E]
    gates = jax.nn.softmax(logits, axis=1)      # [S, E]
    idx = jnp.argmax(gates, axis=1)             # top-1 expert per token
    mask1 = jax.nn.one_hot(idx, E, dtype=jnp.float32)
    locations = jnp.cumsum(mask1, axis=0) - 1.0  # position within expert buffer
    pos = jnp.sum(locations * mask1, axis=1).astype(jnp.int32)
    within = (pos < capacity).astype(jnp.float32)
    mask1 = mask1 * within[:, None]             # drop tokens over capacity
    gates1_s = jnp.sum(gates * mask1, axis=1)   # combine weight per token
    # dispatch: scatter tokens into [E, C, d]; pos >= capacity (dropped) are discarded
    disp = jnp.zeros((E, capacity, d), x.dtype).at[idx, pos].set(x, mode='drop')
    # expert FFN: per-expert Linear(model_dim, model_dim): y = x @ W.T + b
    y = jnp.einsum('ecd,efd->ecf', disp, We) + be[:, None, :]
    # combine: gather each token's expert output, weight by gate (0 for dropped)
    tok_out = y.at[idx, pos].get(mode='fill', fill_value=0.0)
    combined = tok_out * gates1_s[:, None]
    return combined.reshape(inp.shape)


def reference(input, wg, We, be):
    result = _moe_layer(input, wg, We, be)      # [B, S, d]
    result = jnp.einsum('ijk->ij', result)      # sum over feature dim -> [B, S]
    result = jax.nn.log_softmax(result, axis=1)
    return result

if __name__ == "__main__":
    import jax
    _d = setup_inputs()
    print(jax.jit(kernel)(*tuple(_d.values())))

</pallas_src>

<mosaic_0001>
#map = affine_map<(d0, d1) -> (0, 0)>
#map1 = affine_map<(d0, d1) -> (0)>
module attributes {stable_mosaic.version = 14 : i64} {
  func.func @_sc_route_body(%arg0: i32, %arg1: i32, %arg2: memref<5x4096xf32, #tpu.memory_space<hbm>>, %arg3: memref<4096xf32, #tpu.memory_space<hbm>>, %arg4: memref<5x128xf32, #tpu.memory_space<vmem>>, %arg5: memref<128xf32, #tpu.memory_space<vmem>>) attributes {dimension_semantics = [#tpu.dimension_semantics<core_parallel>, #tpu.dimension_semantics<subcore_parallel>], iteration_bounds = array<i64: 2, 16>, scalar_prefetch = 0 : i64, scratch_operands = 2 : i64, tpu.core_type = #tpu.core_type<sc_vector_subcore>, window_params = [{transform_indices = #map}, {transform_indices = #map1}]} {
    %mul3A = arith.constant 2 : i32
    %mul3A_0 = arith.muli %arg1, %mul3A : i32
    %add3A = arith.addi %mul3A_0, %arg0 : i32
    %mul3A_1 = arith.constant 128 : i32
    %mul3A_2 = arith.muli %add3A, %mul3A_1 : i32
    "tpu.region"() ({
      %run_scoped3A = tpu.sem_alloc : memref<!tpu.dma_semaphore, #tpu.memory_space<semaphore_mem>>
      %dma_start3A = arith.constant 0 : i32
      %dma_start3A_443 = tpu.memref_slice %arg2[%dma_start3A, %mul3A_2] : memref<5x4096xf32, #tpu.memory_space<hbm>> -> memref<5x128xf32, #tpu.memory_space<hbm>>
      %dma_start3A_444 = arith.constant 0 : i32
      %dma_start3A_445 = tpu.memref_slice %arg2[%dma_start3A_444, %mul3A_2] : memref<5x4096xf32, #tpu.memory_space<hbm>> -> memref<5x128xf32, #tpu.memory_space<hbm>>
      tpu.enqueue_dma source(%dma_start3A_445 : memref<5x128xf32, #tpu.memory_space<hbm>>) target(%arg4 : memref<5x128xf32, #tpu.memory_space<vmem>>) target_semaphore(%run_scoped3A : memref<!tpu.dma_semaphore, #tpu.memory_space<semaphore_mem>>)
      %dma_wait3A = arith.constant 0 : i32
      %dma_wait3A_446 = tpu.memref_slice %arg2[%dma_wait3A, %mul3A_2] : memref<5x4096xf32, #tpu.memory_space<hbm>> -> memref<5x128xf32, #tpu.memory_space<hbm>>
      %dma_wait3A_447 = arith.constant 0 : i32
      %dma_wait3A_448 = tpu.memref_slice %arg2[%dma_wait3A_447, %mul3A_2] : memref<5x4096xf32, #tpu.memory_space<hbm>> -> memref<5x128xf32, #tpu.memory_space<hbm>>
      tpu.wait_dma2 semaphore(%run_scoped3A : memref<!tpu.dma_semaphore, #tpu.memory_space<semaphore_mem>>) src(%dma_wait3A_448 : memref<5x128xf32, #tpu.memory_space<hbm>>) dst(%arg4 : memref<5x128xf32, #tpu.memory_space<vmem>>)
      tpu.yield
    }) : () -> ()
    %iota3A = tpu.iota {dimensions = array<i32: 0>} : vector<16xi32>
    %broadcast_in_dim3A = arith.constant 1.000000e+00 : f32
    %broadcast_in_dim3A_3 = vector.broadcast %broadcast_in_dim3A : f32 to vector<16xf32>
    %broadcast_in_dim3A_4 = arith.constant 0.000000e+00 : f32
    %broadcast_in_dim3A_5 = vector.broadcast %broadcast_in_dim3A_4 : f32 to vector<16xf32>
    %get3A = arith.constant 0 : i32
    %get3A_6 = arith.index_cast %get3A : i32 to index
    %get3A_7 = arith.constant 0 : index
    %get3A_8 = tpu.vector_load %arg4[%get3A_6, %get3A_7] {strides = array<i32>} : memref<5x128xf32, #tpu.memory_space<vmem>>, vector<1x16xf32>,
    %get3A_9 = vector.shape_cast %get3A_8 : vector<1x16xf32> to vector<16xf32>
    %get3A_10 = arith.constant 1 : i32
    %get3A_11 = arith.index_cast %get3A_10 : i32 to index
    %get3A_12 = arith.constant 0 : index
    %get3A_13 = tpu.vector_load %arg4[%get3A_11, %get3A_12] {strides = array<i32>} : memref<5x128xf32, #tpu.memory_space<vmem>>, vector<1x16xf32>,
    %get3A_14 = vector.shape_cast %get3A_13 : vector<1x16xf32> to vector<16xf32>
    %get3A_15 = arith.constant 2 : i32
    %get3A_16 = arith.index_cast %get3A_15 : i32 to index
    %get3A_17 = arith.constant 0 : index
    %get3A_18 = tpu.vector_load %arg4[%get3A_16, %get3A_17] {strides = array<i32>} : memref<5x128xf32, #tpu.memory_space<vmem>>, vector<1x16xf32>,
    %get3A_19 = vector.shape_cast %get3A_18 : vector<1x16xf32> to vector<16xf32>
    %get3A_20 = arith.constant 3 : i32
    %get3A_21 = arith.index_cast %get3A_20 : i32 to index
    %get3A_22 = arith.constant 0 : index
    %get3A_23 = tpu.vector_load %arg4[%get3A_21, %get3A_22] {strides = array<i32>} : memref<5x128xf32, #tpu.memory_space<vmem>>, vector<1x16xf32>,
    %get3A_24 = vector.shape_cast %get3A_23 : vector<1x16xf32> to vector<16xf32>
    %get3A_25 = arith.constant 4 : i32
    %get3A_26 = arith.index_cast %get3A_25 : i32 to index
    %get3A_27 = arith.constant 0 : index
    %get3A_28 = tpu.vector_load %arg4[%get3A_26, %get3A_27] {strides = array<i32>} : memref<5x128xf32, #tpu.memory_space<vmem>>, vector<1x16xf32>,
    %get3A_29 = vector.shape_cast %get3A_28 : vector<1x16xf32> to vector<16xf32>
    %gt3A = arith.cmpf ogt, %get3A_14, %get3A_9 : vector<16xf32>
    %add3A_30 = arith.constant 0 : i32
    %add3A_31 = arith.addi %mul3A_2, %add3A_30 : i32
    %add3A_32 = vector.broadcast %add3A_31 : i32 to vector<16xi32>
    %add3A_33 = arith.addi %add3A_32, %iota3A : vector<16xi32>
    %convert_element_type3A = arith.sitofp %add3A_33 : vector<16xi32> to vector<16xf32>
    %sub3A = arith.subf %convert_element_type3A, %get3A_29 : vector<16xf32>
    %select_n3A = arith.select %gt3A, %get3A_29, %sub3A : vector<16xi1>, vector<16xf32>
    %lt3A = arith.constant 2.048000e+03 : f32
    %lt3A_34 = vector.broadcast %lt3A : f32 to vector<16xf32>
    %lt3A_35 = arith.cmpf olt, %select_n3A, %lt3A_34 : vector<16xf32>
    %select_n3A_36 = arith.select %lt3A_35, %broadcast_in_dim3A_3, %broadcast_in_dim3A_5 : vector<16xi1>, vector<16xf32>
    %sub3A_37 = arith.subf %get3A_14, %get3A_9 : vector<16xf32>
    %abs3A = math.absf %sub3A_37 : vector<16xf32>
    %neg3A = arith.constant 0.000000e+00 : f32
    %neg3A_38 = vector.broadcast %neg3A : f32 to vector<16xf32>
    %neg3A_39 = arith.subf %neg3A_38, %abs3A : vector<16xf32>
    %exp3A = math.exp %neg3A_39 : vector<16xf32>
    %add3A_40 = arith.constant 1.000000e+00 : f32
    %add3A_41 = vector.broadcast %add3A_40 : f32 to vector<16xf32>
    %add3A_42 = arith.addf %add3A_41, %exp3A : vector<16xf32>
    %div3A = arith.constant 1.000000e+00 : f32
    %div3A_43 = vector.broadcast %div3A : f32 to vector<16xf32>
    %div3A_44 = arith.divf %div3A_43, %add3A_42 : vector<16xf32>
    %select_n3A_45 = arith.select %gt3A, %get3A_24, %get3A_19 : vector<16xi1>, vector<16xf32>
    %mul3A_46 = arith.mulf %div3A_44, %select_n3A_36 : vector<16xf32>
    %mul3A_47 = arith.mulf %mul3A_46, %select_n3A_45 : vector<16xf32>
    %swap3A = arith.constant 0 : index
    %swap3A_48 = tpu.vector_load %arg5[%swap3A] {strides = array<i32>} : memref<128xf32, #tpu.memory_space<vmem>>, vector<16xf32>,
    %swap3A_49 = vector.shape_cast %swap3A_48 : vector<16xf32> to vector<16xf32>
    %swap3A_50 = vector.shape_cast %mul3A_47 : vector<16xf32> to vector<16xf32>
    tpu.vector_store %arg5[%swap3A], %swap3A_50 {strides = array<i32>} : memref<128xf32, #tpu.memory_space<vmem>>, vector<16xf32>,
    %get3A_51 = arith.constant 0 : i32
    %get3A_52 = arith.index_cast %get3A_51 : i32 to index
    %get3A_53 = arith.constant 16 : index
    %get3A_54 = tpu.vector_load %arg4[%get3A_52, %get3A_53] {strides = array<i32>} : memref<5x128xf32, #tpu.memory_space<vmem>>, vector<1x16xf32>,
    %get3A_55 = vector.shape_cast %get3A_54 : vector<1x16xf32> to vector<16xf32>
    %get3A_56 = arith.constant 1 : i32
    %get3A_57 = arith.index_cast %get3A_56 : i32 to index
    %get3A_58 = arith.constant 16 : index
    %get3A_59 = tpu.vector_load %arg4[%get3A_57, %get3A_58] {strides = array<i32>} : memref<5x128xf32, #tpu.memory_space<vmem>>, vector<1x16xf32>,
    %get3A_60 = vector.shape_cast %get3A_59 : vector<1x16xf32> to vector<16xf32>
    %get3A_61 = arith.constant 2 : i32
    %get3A_62 = arith.index_cast %get3A_61 : i32 to index
    %get3A_63 = arith.constant 16 : index
    %get3A_64 = tpu.vector_load %arg4[%get3A_62, %get3A_63] {strides = array<i32>} : memref<5x128xf32, #tpu.memory_space<vmem>>, vector<1x16xf32>,
    %get3A_65 = vector.shape_cast %get3A_64 : vector<1x16xf32> to vector<16xf32>
    %get3A_66 = arith.constant 3 : i32
    %get3A_67 = arith.index_cast %get3A_66 : i32 to index
    %get3A_68 = arith.constant 16 : index
    %get3A_69 = tpu.vector_load %arg4[%get3A_67, %get3A_68] {strides = array<i32>} : memref<5x128xf32, #tpu.memory_space<vmem>>, vector<1x16xf32>,
    %get3A_70 = vector.shape_cast %get3A_69 : vector<1x16xf32> to vector<16xf32>
    %get3A_71 = arith.constant 4 : i32
    %get3A_72 = arith.index_cast %get3A_71 : i32 to index
    %get3A_73 = arith.constant 16 : index
    %get3A_74 = tpu.vector_load %arg4[%get3A_72, %get3A_73] {strides = array<i32>} : memref<5x128xf32, #tpu.memory_space<vmem>>, vector<1x16xf32>,
    %get3A_75 = vector.shape_cast %get3A_74 : vector<1x16xf32> to vector<16xf32>
    %gt3A_76 = arith.cmpf ogt, %get3A_60, %get3A_55 : vector<16xf32>
    %add3A_77 = arith.constant 16 : i32
    %add3A_78 = arith.addi %mul3A_2, %add3A_77 : i32
    %add3A_79 = vector.broadcast %add3A_78 : i32 to vector<16xi32>
    %add3A_80 = arith.addi %add3A_79, %iota3A : vector<16xi32>
    %convert_element_type3A_81 = arith.sitofp %add3A_80 : vector<16xi32> to vector<16xf32>
    %sub3A_82 = arith.subf %convert_element_type3A_81, %get3A_75 : vector<16xf32>
    %select_n3A_83 = arith.select %gt3A_76, %get3A_75, %sub3A_82 : vector<16xi1>, vector<16xf32>
    %lt3A_84 = arith.constant 2.048000e+03 : f32
    %lt3A_85 = vector.broadcast %lt3A_84 : f32 to vector<16xf32>
    %lt3A_86 = arith.cmpf olt, %select_n3A_83, %lt3A_85 : vector<16xf32>
    %select_n3A_87 = arith.select %lt3A_86, %broadcast_in_dim3A_3, %broadcast_in_dim3A_5 : vector<16xi1>, vector<16xf32>
    %sub3A_88 = arith.subf %get3A_60, %get3A_55 : vector<16xf32>
    %abs3A_89 = math.absf %sub3A_88 : vector<16xf32>
    %neg3A_90 = arith.constant 0.000000e+00 : f32
    %neg3A_91 = vector.broadcast %neg3A_90 : f32 to vector<16xf32>
    %neg3A_92 = arith.subf %neg3A_91, %abs3A_89 : vector<16xf32>
    %exp3A_93 = math.exp %neg3A_92 : vector<16xf32>
    %add3A_94 = arith.constant 1.000000e+00 : f32
    %add3A_95 = vector.broadcast %add3A_94 : f32 to vector<16xf32>
    %add3A_96 = arith.addf %add3A_95, %exp3A_93 : vector<16xf32>
    %div3A_97 = arith.constant 1.000000e+00 : f32
    %div3A_98 = vector.broadcast %div3A_97 : f32 to vector<16xf32>
    %div3A_99 = arith.divf %div3A_98, %add3A_96 : vector<16xf32>
    %select_n3A_100 = arith.select %gt3A_76, %get3A_70, %get3A_65 : vector<16xi1>, vector<16xf32>
    %mul3A_101 = arith.mulf %div3A_99, %select_n3A_87 : vector<16xf32>
    %mul3A_102 = arith.mulf %mul3A_101, %select_n3A_100 : vector<16xf32>
    %swap3A_103 = arith.constant 16 : index
    %swap3A_104 = tpu.vector_load %arg5[%swap3A_103] {strides = array<i32>} : memref<128xf32, #tpu.memory_space<vmem>>, vector<16xf32>,
    %swap3A_105 = vector.shape_cast %swap3A_104 : vector<16xf32> to vector<16xf32>
    %swap3A_106 = vector.shape_cast %mul3A_102 : vector<16xf32> to vector<16xf32>
    tpu.vector_store %arg5[%swap3A_103], %swap3A_106 {strides = array<i32>} : memref<128xf32, #tpu.memory_space<vmem>>, vector<16xf32>,
    %get3A_107 = arith.constant 0 : i32
    %get3A_108 = arith.index_cast %get3A_107 : i32 to index
    %get3A_109 = arith.constant 32 : index
    %get3A_110 = tpu.vector_load %arg4[%get3A_108, %get3A_109] {strides = array<i32>} : memref<5x128xf32, #tpu.memory_space<vmem>>, vector<1x16xf32>,
    %get3A_111 = vector.shape_cast %get3A_110 : vector<1x16xf32> to vector<16xf32>
    %get3A_112 = arith.constant 1 : i32
    %get3A_113 = arith.index_cast %get3A_112 : i32 to index
    %get3A_114 = arith.constant 32 : index
    %get3A_115 = tpu.vector_load %arg4[%get3A_113, %get3A_114] {strides = array<i32>} : memref<5x128xf32, #tpu.memory_space<vmem>>, vector<1x16xf32>,
    %get3A_116 = vector.shape_cast %get3A_115 : vector<1x16xf32> to vector<16xf32>
    %get3A_117 = arith.constant 2 : i32
    %get3A_118 = arith.index_cast %get3A_117 : i32 to index
    %get3A_119 = arith.constant 32 : index
    %get3A_120 = tpu.vector_load %arg4[%get3A_118, %get3A_119] {strides = array<i32>} : memref<5x128xf32, #tpu.memory_space<vmem>>, vector<1x16xf32>,
    %get3A_121 = vector.shape_cast %get3A_120 : vector<1x16xf32> to vector<16xf32>
    %get3A_122 = arith.constant 3 : i32
    %get3A_123 = arith.index_cast %get3A_122 : i32 to index
    %get3A_124 = arith.constant 32 : index
    %get3A_125 = tpu.vector_load %arg4[%get3A_123, %get3A_124] {strides = array<i32>} : memref<5x128xf32, #tpu.memory_space<vmem>>, vector<1x16xf32>,
    %get3A_126 = vector.shape_cast %get3A_125 : vector<1x16xf32> to vector<16xf32>
    %get3A_127 = arith.constant 4 : i32
    %get3A_128 = arith.index_cast %get3A_127 : i32 to index
    %get3A_129 = arith.constant 32 : index
    %get3A_130 = tpu.vector_load %arg4[%get3A_128, %get3A_129] {strides = array<i32>} : memref<5x128xf32, #tpu.memory_space<vmem>>, vector<1x16xf32>,
    %get3A_131 = vector.shape_cast %get3A_130 : vector<1x16xf32> to vector<16xf32>
    %gt3A_132 = arith.cmpf ogt, %get3A_116, %get3A_111 : vector<16xf32>
    %add3A_133 = arith.constant 32 : i32
    %add3A_134 = arith.addi %mul3A_2, %add3A_133 : i32
    %add3A_135 = vector.broadcast %add3A_134 : i32 to vector<16xi32>
    %add3A_136 = arith.addi %add3A_135, %iota3A : vector<16xi32>
    %convert_element_type3A_137 = arith.sitofp %add3A_136 : vector<16xi32> to vector<16xf32>
    %sub3A_138 = arith.subf %convert_element_type3A_137, %get3A_131 : vector<16xf32>
    %select_n3A_139 = arith.select %gt3A_132, %get3A_131, %sub3A_138 : vector<16xi1>, vector<16xf32>
    %lt3A_140 = arith.constant 2.048000e+03 : f32
    %lt3A_141 = vector.broadcast %lt3A_140 : f32 to vector<16xf32>
    %lt3A_142 = arith.cmpf olt, %select_n3A_139, %lt3A_141 : vector<16xf32>
    %select_n3A_143 = arith.select %lt3A_142, %broadcast_in_dim3A_3, %broadcast_in_dim3A_5 : vector<16xi1>, vector<16xf32>
    %sub3A_144 = arith.subf %get3A_116, %get3A_111 : vector<16xf32>
    %abs3A_145 = math.absf %sub3A_144 : vector<16xf32>
    %neg3A_146 = arith.constant 0.000000e+00 : f32
    %neg3A_147 = vector.broadcast %neg3A_146 : f32 to vector<16xf32>
    %neg3A_148 = arith.subf %neg3A_147, %abs3A_145 : vector<16xf32>
    %exp3A_149 = math.exp %neg3A_148 : vector<16xf32>
    %add3A_150 = arith.constant 1.000000e+00 : f32
    %add3A_151 = vector.broadcast %add3A_150 : f32 to vector<16xf32>
    %add3A_152 = arith.addf %add3A_151, %exp3A_149 : vector<16xf32>
    %div3A_153 = arith.constant 1.000000e+00 : f32
    %div3A_154 = vector.broadcast %div3A_153 : f32 to vector<16xf32>
    %div3A_155 = arith.divf %div3A_154, %add3A_152 : vector<16xf32>
    %select_n3A_156 = arith.select %gt3A_132, %get3A_126, %get3A_121 : vector<16xi1>, vector<16xf32>
    %mul3A_157 = arith.mulf %div3A_155, %select_n3A_143 : vector<16xf32>
    %mul3A_158 = arith.mulf %mul3A_157, %select_n3A_156 : vector<16xf32>
    %swap3A_159 = arith.constant 32 : index
    %swap3A_160 = tpu.vector_load %arg5[%swap3A_159] {strides = array<i32>} : memref<128xf32, #tpu.memory_space<vmem>>, vector<16xf32>,
    %swap3A_161 = vector.shape_cast %swap3A_160 : vector<16xf32> to vector<16xf32>
    %swap3A_162 = vector.shape_cast %mul3A_158 : vector<16xf32> to vector<16xf32>
    tpu.vector_store %arg5[%swap3A_159], %swap3A_162 {strides = array<i32>} : memref<128xf32, #tpu.memory_space<vmem>>, vector<16xf32>,
    %get3A_163 = arith.constant 0 : i32
    %get3A_164 = arith.index_cast %get3A_163 : i32 to index
    %get3A_165 = arith.constant 48 : index
    %get3A_166 = tpu.vector_load %arg4[%get3A_164, %get3A_165] {strides = array<i32>} : memref<5x128xf32, #tpu.memory_space<vmem>>, vector<1x16xf32>,
    %get3A_167 = vector.shape_cast %get3A_166 : vector<1x16xf32> to vector<16xf32>
    %get3A_168 = arith.constant 1 : i32
    %get3A_169 = arith.index_cast %get3A_168 : i32 to index
    %get3A_170 = arith.constant 48 : index
    %get3A_171 = tpu.vector_load %arg4[%get3A_169, %get3A_170] {strides = array<i32>} : memref<5x128xf32, #tpu.memory_space<vmem>>, vector<1x16xf32>,
    %get3A_172 = vector.shape_cast %get3A_171 : vector<1x16xf32> to vector<16xf32>
    %get3A_173 = arith.constant 2 : i32
    %get3A_174 = arith.index_cast %get3A_173 : i32 to index
    %get3A_175 = arith.constant 48 : index
    %get3A_176 = tpu.vector_load %arg4[%get3A_174, %get3A_175] {strides = array<i32>} : memref<5x128xf32, #tpu.memory_space<vmem>>, vector<1x16xf32>,
    %get3A_177 = vector.shape_cast %get3A_176 : vector<1x16xf32> to vector<16xf32>
    %get3A_178 = arith.constant 3 : i32
    %get3A_179 = arith.index_cast %get3A_178 : i32 to index
    %get3A_180 = arith.constant 48 : index
    %get3A_181 = tpu.vector_load %arg4[%get3A_179, %get3A_180] {strides = array<i32>} : memref<5x128xf32, #tpu.memory_space<vmem>>, vector<1x16xf32>,
    %get3A_182 = vector.shape_cast %get3A_181 : vector<1x16xf32> to vector<16xf32>
    %get3A_183 = arith.constant 4 : i32
    %get3A_184 = arith.index_cast %get3A_183 : i32 to index
    %get3A_185 = arith.constant 48 : index
    %get3A_186 = tpu.vector_load %arg4[%get3A_184, %get3A_185] {strides = array<i32>} : memref<5x128xf32, #tpu.memory_space<vmem>>, vector<1x16xf32>,
    %get3A_187 = vector.shape_cast %get3A_186 : vector<1x16xf32> to vector<16xf32>
    %gt3A_188 = arith.cmpf ogt, %get3A_172, %get3A_167 : vector<16xf32>
    %add3A_189 = arith.constant 48 : i32
    %add3A_190 = arith.addi %mul3A_2, %add3A_189 : i32
    %add3A_191 = vector.broadcast %add3A_190 : i32 to vector<16xi32>
    %add3A_192 = arith.addi %add3A_191, %iota3A : vector<16xi32>
    %convert_element_type3A_193 = arith.sitofp %add3A_192 : vector<16xi32> to vector<16xf32>
    %sub3A_194 = arith.subf %convert_element_type3A_193, %get3A_187 : vector<16xf32>
    %select_n3A_195 = arith.select %gt3A_188, %get3A_187, %sub3A_194 : vector<16xi1>, vector<16xf32>
    %lt3A_196 = arith.constant 2.048000e+03 : f32
    %lt3A_197 = vector.broadcast %lt3A_196 : f32 to vector<16xf32>
    %lt3A_198 = arith.cmpf olt, %select_n3A_195, %lt3A_197 : vector<16xf32>
    %select_n3A_199 = arith.select %lt3A_198, %broadcast_in_dim3A_3, %broadcast_in_dim3A_5 : vector<16xi1>, vector<16xf32>
    %sub3A_200 = arith.subf %get3A_172, %get3A_167 : vector<16xf32>
    %abs3A_201 = math.absf %sub3A_200 : vector<16xf32>
    %neg3A_202 = arith.constant 0.000000e+00 : f32
    %neg3A_203 = vector.broadcast %neg3A_202 : f32 to vector<16xf32>
    %neg3A_204 = arith.subf %neg3A_203, %abs3A_201 : vector<16xf32>
    %exp3A_205 = math.exp %neg3A_204 : vector<16xf32>
    %add3A_206 = arith.constant 1.000000e+00 : f32
    %add3A_207 = vector.broadcast %add3A_206 : f32 to vector<16xf32>
    %add3A_208 = arith.addf %add3A_207, %exp3A_205 : vector<16xf32>
    %div3A_209 = arith.constant 1.000000e+00 : f32
    %div3A_210 = vector.broadcast %div3A_209 : f32 to vector<16xf32>
    %div3A_211 = arith.divf %div3A_210, %add3A_208 : vector<16xf32>
    %select_n3A_212 = arith.select %gt3A_188, %get3A_182, %get3A_177 : vector<16xi1>, vector<16xf32>
    %mul3A_213 = arith.mulf %div3A_211, %select_n3A_199 : vector<16xf32>
    %mul3A_214 = arith.mulf %mul3A_213, %select_n3A_212 : vector<16xf32>
    %swap3A_215 = arith.constant 48 : index
    %swap3A_216 = tpu.vector_load %arg5[%swap3A_215] {strides = array<i32>} : memref<128xf32, #tpu.memory_space<vmem>>, vector<16xf32>,
    %swap3A_217 = vector.shape_cast %swap3A_216 : vector<16xf32> to vector<16xf32>
    %swap3A_218 = vector.shape_cast %mul3A_214 : vector<16xf32> to vector<16xf32>
    tpu.vector_store %arg5[%swap3A_215], %swap3A_218 {strides = array<i32>} : memref<128xf32, #tpu.memory_space<vmem>>, vector<16xf32>,
    %get3A_219 = arith.constant 0 : i32
    %get3A_220 = arith.index_cast %get3A_219 : i32 to index
    %get3A_221 = arith.constant 64 : index
    %get3A_222 = tpu.vector_load %arg4[%get3A_220, %get3A_221] {strides = array<i32>} : memref<5x128xf32, #tpu.memory_space<vmem>>, vector<1x16xf32>,
    %get3A_223 = vector.shape_cast %get3A_222 : vector<1x16xf32> to vector<16xf32>
    %get3A_224 = arith.constant 1 : i32
    %get3A_225 = arith.index_cast %get3A_224 : i32 to index
    %get3A_226 = arith.constant 64 : index
    %get3A_227 = tpu.vector_load %arg4[%get3A_225, %get3A_226] {strides = array<i32>} : memref<5x128xf32, #tpu.memory_space<vmem>>, vector<1x16xf32>,
    %get3A_228 = vector.shape_cast %get3A_227 : vector<1x16xf32> to vector<16xf32>
    %get3A_229 = arith.constant 2 : i32
    %get3A_230 = arith.index_cast %get3A_229 : i32 to index
    %get3A_231 = arith.constant 64 : index
    %get3A_232 = tpu.vector_load %arg4[%get3A_230, %get3A_231] {strides = array<i32>} : memref<5x128xf32, #tpu.memory_space<vmem>>, vector<1x16xf32>,
    %get3A_233 = vector.shape_cast %get3A_232 : vector<1x16xf32> to vector<16xf32>
    %get3A_234 = arith.constant 3 : i32
    %get3A_235 = arith.index_cast %get3A_234 : i32 to index
    %get3A_236 = arith.constant 64 : index
    %get3A_237 = tpu.vector_load %arg4[%get3A_235, %get3A_236] {strides = array<i32>} : memref<5x128xf32, #tpu.memory_space<vmem>>, vector<1x16xf32>,
    %get3A_238 = vector.shape_cast %get3A_237 : vector<1x16xf32> to vector<16xf32>
    %get3A_239 = arith.constant 4 : i32
    %get3A_240 = arith.index_cast %get3A_239 : i32 to index
    %get3A_241 = arith.constant 64 : index
    %get3A_242 = tpu.vector_load %arg4[%get3A_240, %get3A_241] {strides = array<i32>} : memref<5x128xf32, #tpu.memory_space<vmem>>, vector<1x16xf32>,
    %get3A_243 = vector.shape_cast %get3A_242 : vector<1x16xf32> to vector<16xf32>
    %gt3A_244 = arith.cmpf ogt, %get3A_228, %get3A_223 : vector<16xf32>
    %add3A_245 = arith.constant 64 : i32
    %add3A_246 = arith.addi %mul3A_2, %add3A_245 : i32
    %add3A_247 = vector.broadcast %add3A_246 : i32 to vector<16xi32>
    %add3A_248 = arith.addi %add3A_247, %iota3A : vector<16xi32>
    %convert_element_type3A_249 = arith.sitofp %add3A_248 : vector<16xi32> to vector<16xf32>
    %sub3A_250 = arith.subf %convert_element_type3A_249, %get3A_243 : vector<16xf32>
    %select_n3A_251 = arith.select %gt3A_244, %get3A_243, %sub3A_250 : vector<16xi1>, vector<16xf32>
    %lt3A_252 = arith.constant 2.048000e+03 : f32
    %lt3A_253 = vector.broadcast %lt3A_252 : f32 to vector<16xf32>
    %lt3A_254 = arith.cmpf olt, %select_n3A_251, %lt3A_253 : vector<16xf32>
    %select_n3A_255 = arith.select %lt3A_254, %broadcast_in_dim3A_3, %broadcast_in_dim3A_5 : vector<16xi1>, vector<16xf32>
    %sub3A_256 = arith.subf %get3A_228, %get3A_223 : vector<16xf32>
    %abs3A_257 = math.absf %sub3A_256 : vector<16xf32>
    %neg3A_258 = arith.constant 0.000000e+00 : f32
    %neg3A_259 = vector.broadcast %neg3A_258 : f32 to vector<16xf32>
    %neg3A_260 = arith.subf %neg3A_259, %abs3A_257 : vector<16xf32>
    %exp3A_261 = math.exp %neg3A_260 : vector<16xf32>
    %add3A_262 = arith.constant 1.000000e+00 : f32
    %add3A_263 = vector.broadcast %add3A_262 : f32 to vector<16xf32>
    %add3A_264 = arith.addf %add3A_263, %exp3A_261 : vector<16xf32>
    %div3A_265 = arith.constant 1.000000e+00 : f32
    %div3A_266 = vector.broadcast %div3A_265 : f32 to vector<16xf32>
    %div3A_267 = arith.divf %div3A_266, %add3A_264 : vector<16xf32>
    %select_n3A_268 = arith.select %gt3A_244, %get3A_238, %get3A_233 : vector<16xi1>, vector<16xf32>
    %mul3A_269 = arith.mulf %div3A_267, %select_n3A_255 : vector<16xf32>
    %mul3A_270 = arith.mulf %mul3A_269, %select_n3A_268 : vector<16xf32>
    %swap3A_271 = arith.constant 64 : index
    %swap3A_272 = tpu.vector_load %arg5[%swap3A_271] {strides = array<i32>} : memref<128xf32, #tpu.memory_space<vmem>>, vector<16xf32>,
    %swap3A_273 = vector.shape_cast %swap3A_272 : vector<16xf32> to vector<16xf32>
    %swap3A_274 = vector.shape_cast %mul3A_270 : vector<16xf32> to vector<16xf32>
    tpu.vector_store %arg5[%swap3A_271], %swap3A_274 {strides = array<i32>} : memref<128xf32, #tpu.memory_space<vmem>>, vector<16xf32>,
    %get3A_275 = arith.constant 0 : i32
    %get3A_276 = arith.index_cast %get3A_275 : i32 to index
    %get3A_277 = arith.constant 80 : index
    %get3A_278 = tpu.vector_load %arg4[%get3A_276, %get3A_277] {strides = array<i32>} : memref<5x128xf32, #tpu.memory_space<vmem>>, vector<1x16xf32>,
    %get3A_279 = vector.shape_cast %get3A_278 : vector<1x16xf32> to vector<16xf32>
    %get3A_280 = arith.constant 1 : i32
    %get3A_281 = arith.index_cast %get3A_280 : i32 to index
    %get3A_282 = arith.constant 80 : index
    %get3A_283 = tpu.vector_load %arg4[%get3A_281, %get3A_282] {strides = array<i32>} : memref<5x128xf32, #tpu.memory_space<vmem>>, vector<1x16xf32>,
    %get3A_284 = vector.shape_cast %get3A_283 : vector<1x16xf32> to vector<16xf32>
    %get3A_285 = arith.constant 2 : i32
    %get3A_286 = arith.index_cast %get3A_285 : i32 to index
    %get3A_287 = arith.constant 80 : index
    %get3A_288 = tpu.vector_load %arg4[%get3A_286, %get3A_287] {strides = array<i32>} : memref<5x128xf32, #tpu.memory_space<vmem>>, vector<1x16xf32>,
    %get3A_289 = vector.shape_cast %get3A_288 : vector<1x16xf32> to vector<16xf32>
    %get3A_290 = arith.constant 3 : i32
    %get3A_291 = arith.index_cast %get3A_290 : i32 to index
    %get3A_292 = arith.constant 80 : index
    %get3A_293 = tpu.vector_load %arg4[%get3A_291, %get3A_292] {strides = array<i32>} : memref<5x128xf32, #tpu.memory_space<vmem>>, vector<1x16xf32>,
    %get3A_294 = vector.shape_cast %get3A_293 : vector<1x16xf32> to vector<16xf32>
    %get3A_295 = arith.constant 4 : i32
    %get3A_296 = arith.index_cast %get3A_295 : i32 to index
    %get3A_297 = arith.constant 80 : index
    %get3A_298 = tpu.vector_load %arg4[%get3A_296, %get3A_297] {strides = array<i32>} : memref<5x128xf32, #tpu.memory_space<vmem>>, vector<1x16xf32>,
    %get3A_299 = vector.shape_cast %get3A_298 : vector<1x16xf32> to vector<16xf32>
    %gt3A_300 = arith.cmpf ogt, %get3A_284, %get3A_279 : vector<16xf32>
    %add3A_301 = arith.constant 80 : i32
    %add3A_302 = arith.addi %mul3A_2, %add3A_301 : i32
    %add3A_303 = vector.broadcast %add3A_302 : i32 to vector<16xi32>
    %add3A_304 = arith.addi %add3A_303, %iota3A : vector<16xi32>
    %convert_element_type3A_305 = arith.sitofp %add3A_304 : vector<16xi32> to vector<16xf32>
    %sub3A_306 = arith.subf %convert_element_type3A_305, %get3A_299 : vector<16xf32>
    %select_n3A_307 = arith.select %gt3A_300, %get3A_299, %sub3A_306 : vector<16xi1>, vector<16xf32>
    %lt3A_308 = arith.constant 2.048000e+03 : f32
    %lt3A_309 = vector.broadcast %lt3A_308 : f32 to vector<16xf32>
    %lt3A_310 = arith.cmpf olt, %select_n3A_307, %lt3A_309 : vector<16xf32>
    %select_n3A_311 = arith.select %lt3A_310, %broadcast_in_dim3A_3, %broadcast_in_dim3A_5 : vector<16xi1>, vector<16xf32>
    %sub3A_312 = arith.subf %get3A_284, %get3A_279 : vector<16xf32>
    %abs3A_313 = math.absf %sub3A_312 : vector<16xf32>
    %neg3A_314 = arith.constant 0.000000e+00 : f32
    %neg3A_315 = vector.broadcast %neg3A_314 : f32 to vector<16xf32>
    %neg3A_316 = arith.subf %neg3A_315, %abs3A_313 : vector<16xf32>
    %exp3A_317 = math.exp %neg3A_316 : vector<16xf32>
    %add3A_318 = arith.constant 1.000000e+00 : f32
    %add3A_319 = vector.broadcast %add3A_318 : f32 to vector<16xf32>
    %add3A_320 = arith.addf %add3A_319, %exp3A_317 : vector<16xf32>
    %div3A_321 = arith.constant 1.000000e+00 : f32
    %div3A_322 = vector.broadcast %div3A_321 : f32 to vector<16xf32>
    %div3A_323 = arith.divf %div3A_322, %add3A_320 : vector<16xf32>
    %select_n3A_324 = arith.select %gt3A_300, %get3A_294, %get3A_289 : vector<16xi1>, vector<16xf32>
    %mul3A_325 = arith.mulf %div3A_323, %select_n3A_311 : vector<16xf32>
    %mul3A_326 = arith.mulf %mul3A_325, %select_n3A_324 : vector<16xf32>
    %swap3A_327 = arith.constant 80 : index
    %swap3A_328 = tpu.vector_load %arg5[%swap3A_327] {strides = array<i32>} : memref<128xf32, #tpu.memory_space<vmem>>, vector<16xf32>,
    %swap3A_329 = vector.shape_cast %swap3A_328 : vector<16xf32> to vector<16xf32>
    %swap3A_330 = vector.shape_cast %mul3A_326 : vector<16xf32> to vector<16xf32>
    tpu.vector_store %arg5[%swap3A_327], %swap3A_330 {strides = array<i32>} : memref<128xf32, #tpu.memory_space<vmem>>, vector<16xf32>,
    %get3A_331 = arith.constant 0 : i32
    %get3A_332 = arith.index_cast %get3A_331 : i32 to index
    %get3A_333 = arith.constant 96 : index
    %get3A_334 = tpu.vector_load %arg4[%get3A_332, %get3A_333] {strides = array<i32>} : memref<5x128xf32, #tpu.memory_space<vmem>>, vector<1x16xf32>,
    %get3A_335 = vector.shape_cast %get3A_334 : vector<1x16xf32> to vector<16xf32>
    %get3A_336 = arith.constant 1 : i32
    %get3A_337 = arith.index_cast %get3A_336 : i32 to index
    %get3A_338 = arith.constant 96 : index
    %get3A_339 = tpu.vector_load %arg4[%get3A_337, %get3A_338] {strides = array<i32>} : memref<5x128xf32, #tpu.memory_space<vmem>>, vector<1x16xf32>,
    %get3A_340 = vector.shape_cast %get3A_339 : vector<1x16xf32> to vector<16xf32>
    %get3A_341 = arith.constant 2 : i32
    %get3A_342 = arith.index_cast %get3A_341 : i32 to index
    %get3A_343 = arith.constant 96 : index
    %get3A_344 = tpu.vector_load %arg4[%get3A_342, %get3A_343] {strides = array<i32>} : memref<5x128xf32, #tpu.memory_space<vmem>>, vector<1x16xf32>,
    %get3A_345 = vector.shape_cast %get3A_344 : vector<1x16xf32> to vector<16xf32>
    %get3A_346 = arith.constant 3 : i32
    %get3A_347 = arith.index_cast %get3A_346 : i32 to index
    %get3A_348 = arith.constant 96 : index
    %get3A_349 = tpu.vector_load %arg4[%get3A_347, %get3A_348] {strides = array<i32>} : memref<5x128xf32, #tpu.memory_space<vmem>>, vector<1x16xf32>,
    %get3A_350 = vector.shape_cast %get3A_349 : vector<1x16xf32> to vector<16xf32>
    %get3A_351 = arith.constant 4 : i32
    %get3A_352 = arith.index_cast %get3A_351 : i32 to index
    %get3A_353 = arith.constant 96 : index
    %get3A_354 = tpu.vector_load %arg4[%get3A_352, %get3A_353] {strides = array<i32>} : memref<5x128xf32, #tpu.memory_space<vmem>>, vector<1x16xf32>,
    %get3A_355 = vector.shape_cast %get3A_354 : vector<1x16xf32> to vector<16xf32>
    %gt3A_356 = arith.cmpf ogt, %get3A_340, %get3A_335 : vector<16xf32>
    %add3A_357 = arith.constant 96 : i32
    %add3A_358 = arith.addi %mul3A_2, %add3A_357 : i32
    %add3A_359 = vector.broadcast %add3A_358 : i32 to vector<16xi32>
    %add3A_360 = arith.addi %add3A_359, %iota3A : vector<16xi32>
    %convert_element_type3A_361 = arith.sitofp %add3A_360 : vector<16xi32> to vector<16xf32>
    %sub3A_362 = arith.subf %convert_element_type3A_361, %get3A_355 : vector<16xf32>
    %select_n3A_363 = arith.select %gt3A_356, %get3A_355, %sub3A_362 : vector<16xi1>, vector<16xf32>
    %lt3A_364 = arith.constant 2.048000e+03 : f32
    %lt3A_365 = vector.broadcast %lt3A_364 : f32 to vector<16xf32>
    %lt3A_366 = arith.cmpf olt, %select_n3A_363, %lt3A_365 : vector<16xf32>
    %select_n3A_367 = arith.select %lt3A_366, %broadcast_in_dim3A_3, %broadcast_in_dim3A_5 : vector<16xi1>, vector<16xf32>
    %sub3A_368 = arith.subf %get3A_340, %get3A_335 : vector<16xf32>
    %abs3A_369 = math.absf %sub3A_368 : vector<16xf32>
    %neg3A_370 = arith.constant 0.000000e+00 : f32
    %neg3A_371 = vector.broadcast %neg3A_370 : f32 to vector<16xf32>
    %neg3A_372 = arith.subf %neg3A_371, %abs3A_369 : vector<16xf32>
    %exp3A_373 = math.exp %neg3A_372 : vector<16xf32>
    %add3A_374 = arith.constant 1.000000e+00 : f32
    %add3A_375 = vector.broadcast %add3A_374 : f32 to vector<16xf32>
    %add3A_376 = arith.addf %add3A_375, %exp3A_373 : vector<16xf32>
    %div3A_377 = arith.constant 1.000000e+00 : f32
    %div3A_378 = vector.broadcast %div3A_377 : f32 to vector<16xf32>
    %div3A_379 = arith.divf %div3A_378, %add3A_376 : vector<16xf32>
    %select_n3A_380 = arith.select %gt3A_356, %get3A_350, %get3A_345 : vector<16xi1>, vector<16xf32>
    %mul3A_381 = arith.mulf %div3A_379, %select_n3A_367 : vector<16xf32>
    %mul3A_382 = arith.mulf %mul3A_381, %select_n3A_380 : vector<16xf32>
    %swap3A_383 = arith.constant 96 : index
    %swap3A_384 = tpu.vector_load %arg5[%swap3A_383] {strides = array<i32>} : memref<128xf32, #tpu.memory_space<vmem>>, vector<16xf32>,
    %swap3A_385 = vector.shape_cast %swap3A_384 : vector<16xf32> to vector<16xf32>
    %swap3A_386 = vector.shape_cast %mul3A_382 : vector<16xf32> to vector<16xf32>
    tpu.vector_store %arg5[%swap3A_383], %swap3A_386 {strides = array<i32>} : memref<128xf32, #tpu.memory_space<vmem>>, vector<16xf32>,
    %get3A_387 = arith.constant 0 : i32
    %get3A_388 = arith.index_cast %get3A_387 : i32 to index
    %get3A_389 = arith.constant 112 : index
    %get3A_390 = tpu.vector_load %arg4[%get3A_388, %get3A_389] {strides = array<i32>} : memref<5x128xf32, #tpu.memory_space<vmem>>, vector<1x16xf32>,
    %get3A_391 = vector.shape_cast %get3A_390 : vector<1x16xf32> to vector<16xf32>
    %get3A_392 = arith.constant 1 : i32
    %get3A_393 = arith.index_cast %get3A_392 : i32 to index
    %get3A_394 = arith.constant 112 : index
    %get3A_395 = tpu.vector_load %arg4[%get3A_393, %get3A_394] {strides = array<i32>} : memref<5x128xf32, #tpu.memory_space<vmem>>, vector<1x16xf32>,
    %get3A_396 = vector.shape_cast %get3A_395 : vector<1x16xf32> to vector<16xf32>
    %get3A_397 = arith.constant 2 : i32
    %get3A_398 = arith.index_cast %get3A_397 : i32 to index
    %get3A_399 = arith.constant 112 : index
    %get3A_400 = tpu.vector_load %arg4[%get3A_398, %get3A_399] {strides = array<i32>} : memref<5x128xf32, #tpu.memory_space<vmem>>, vector<1x16xf32>,
    %get3A_401 = vector.shape_cast %get3A_400 : vector<1x16xf32> to vector<16xf32>
    %get3A_402 = arith.constant 3 : i32
    %get3A_403 = arith.index_cast %get3A_402 : i32 to index
    %get3A_404 = arith.constant 112 : index
    %get3A_405 = tpu.vector_load %arg4[%get3A_403, %get3A_404] {strides = array<i32>} : memref<5x128xf32, #tpu.memory_space<vmem>>, vector<1x16xf32>,
    %get3A_406 = vector.shape_cast %get3A_405 : vector<1x16xf32> to vector<16xf32>
    %get3A_407 = arith.constant 4 : i32
    %get3A_408 = arith.index_cast %get3A_407 : i32 to index
    %get3A_409 = arith.constant 112 : index
    %get3A_410 = tpu.vector_load %arg4[%get3A_408, %get3A_409] {strides = array<i32>} : memref<5x128xf32, #tpu.memory_space<vmem>>, vector<1x16xf32>,
    %get3A_411 = vector.shape_cast %get3A_410 : vector<1x16xf32> to vector<16xf32>
    %gt3A_412 = arith.cmpf ogt, %get3A_396, %get3A_391 : vector<16xf32>
    %add3A_413 = arith.constant 112 : i32
    %add3A_414 = arith.addi %mul3A_2, %add3A_413 : i32
    %add3A_415 = vector.broadcast %add3A_414 : i32 to vector<16xi32>
    %add3A_416 = arith.addi %add3A_415, %iota3A : vector<16xi32>
    %convert_element_type3A_417 = arith.sitofp %add3A_416 : vector<16xi32> to vector<16xf32>
    %sub3A_418 = arith.subf %convert_element_type3A_417, %get3A_411 : vector<16xf32>
    %select_n3A_419 = arith.select %gt3A_412, %get3A_411, %sub3A_418 : vector<16xi1>, vector<16xf32>
    %lt3A_420 = arith.constant 2.048000e+03 : f32
    %lt3A_421 = vector.broadcast %lt3A_420 : f32 to vector<16xf32>
    %lt3A_422 = arith.cmpf olt, %select_n3A_419, %lt3A_421 : vector<16xf32>
    %select_n3A_423 = arith.select %lt3A_422, %broadcast_in_dim3A_3, %broadcast_in_dim3A_5 : vector<16xi1>, vector<16xf32>
    %sub3A_424 = arith.subf %get3A_396, %get3A_391 : vector<16xf32>
    %abs3A_425 = math.absf %sub3A_424 : vector<16xf32>
    %neg3A_426 = arith.constant 0.000000e+00 : f32
    %neg3A_427 = vector.broadcast %neg3A_426 : f32 to vector<16xf32>
    %neg3A_428 = arith.subf %neg3A_427, %abs3A_425 : vector<16xf32>
    %exp3A_429 = math.exp %neg3A_428 : vector<16xf32>
    %add3A_430 = arith.constant 1.000000e+00 : f32
    %add3A_431 = vector.broadcast %add3A_430 : f32 to vector<16xf32>
    %add3A_432 = arith.addf %add3A_431, %exp3A_429 : vector<16xf32>
    %div3A_433 = arith.constant 1.000000e+00 : f32
    %div3A_434 = vector.broadcast %div3A_433 : f32 to vector<16xf32>
    %div3A_435 = arith.divf %div3A_434, %add3A_432 : vector<16xf32>
    %select_n3A_436 = arith.select %gt3A_412, %get3A_406, %get3A_401 : vector<16xi1>, vector<16xf32>
    %mul3A_437 = arith.mulf %div3A_435, %select_n3A_423 : vector<16xf32>
    %mul3A_438 = arith.mulf %mul3A_437, %select_n3A_436 : vector<16xf32>
    %swap3A_439 = arith.constant 112 : index
    %swap3A_440 = tpu.vector_load %arg5[%swap3A_439] {strides = array<i32>} : memref<128xf32, #tpu.memory_space<vmem>>, vector<16xf32>,
    %swap3A_441 = vector.shape_cast %swap3A_440 : vector<16xf32> to vector<16xf32>
    %swap3A_442 = vector.shape_cast %mul3A_438 : vector<16xf32> to vector<16xf32>
    tpu.vector_store %arg5[%swap3A_439], %swap3A_442 {strides = array<i32>} : memref<128xf32, #tpu.memory_space<vmem>>, vector<16xf32>,
    "tpu.region"() ({
      %run_scoped3A = tpu.sem_alloc : memref<!tpu.dma_semaphore, #tpu.memory_space<semaphore_mem>>
      %dma_start3A = tpu.memref_slice %arg3[%mul3A_2] : memref<4096xf32, #tpu.memory_space<hbm>> -> memref<128xf32, #tpu.memory_space<hbm>>
      %dma_start3A_443 = tpu.memref_slice %arg3[%mul3A_2] : memref<4096xf32, #tpu.memory_space<hbm>> -> memref<128xf32, #tpu.memory_space<hbm>>
      tpu.enqueue_dma source(%arg5 : memref<128xf32, #tpu.memory_space<vmem>>) target(%dma_start3A_443 : memref<128xf32, #tpu.memory_space<hbm>>) target_semaphore(%run_scoped3A : memref<!tpu.dma_semaphore, #tpu.memory_space<semaphore_mem>>)
      %dma_wait3A = tpu.memref_slice %arg3[%mul3A_2] : memref<4096xf32, #tpu.memory_space<hbm>> -> memref<128xf32, #tpu.memory_space<hbm>>
      %dma_wait3A_444 = tpu.memref_slice %arg3[%mul3A_2] : memref<4096xf32, #tpu.memory_space<hbm>> -> memref<128xf32, #tpu.memory_space<hbm>>
      tpu.wait_dma2 semaphore(%run_scoped3A : memref<!tpu.dma_semaphore, #tpu.memory_space<semaphore_mem>>) src(%arg5 : memref<128xf32, #tpu.memory_space<vmem>>) dst(%dma_wait3A_444 : memref<128xf32, #tpu.memory_space<hbm>>)
      tpu.yield
    }) : () -> ()
    return
  }
}

module attributes {stable_mosaic.version = 14 : i64} {
  func.func @_lsm_body(%arg0: memref<2x2048xf32, #tpu.memory_space<vmem>>, %arg1: memref<2x2048xf32, #tpu.memory_space<vmem>>) attributes {dimension_semantics = [], scalar_prefetch = 0 : i64, scratch_operands = 0 : i64, tpu.core_type = #tpu.core_type<tc>} {
    %get3A = arith.constant 0 : index
    %get3A_0 = arith.constant 0 : index
    %get3A_1 = vector.load %arg0[%get3A, %get3A_0] : memref<2x2048xf32, #tpu.memory_space<vmem>>, vector<2x2048xf32>
    %reduce_max3A = arith.constant dense<0xFF800000> : vector<2xf32>
    %reduce_max3A_2 = vector.multi_reduction <maximumf>, %get3A_1, %reduce_max3A [1] : vector<2x2048xf32> to vector<2xf32>
    %broadcast_in_dim3A = vector.shape_cast %reduce_max3A_2 : vector<2xf32> to vector<2x1xf32>
    %sub3A = vector.broadcast %broadcast_in_dim3A : vector<2x1xf32> to vector<2x2048xf32>
    %sub3A_3 = arith.subf %get3A_1, %sub3A : vector<2x2048xf32>
    %exp3A = math.exp %sub3A_3 : vector<2x2048xf32>
    %reduce_sum3A = arith.constant dense<0.000000e+00> : vector<2xf32>
    %reduce_sum3A_4 = vector.multi_reduction <add>, %exp3A, %reduce_sum3A [1] : vector<2x2048xf32> to vector<2xf32>
    %broadcast_in_dim3A_5 = vector.shape_cast %reduce_sum3A_4 : vector<2xf32> to vector<2x1xf32>
    %log3A = math.log %broadcast_in_dim3A_5 : vector<2x1xf32>
    %add3A = arith.addf %log3A, %broadcast_in_dim3A : vector<2x1xf32>
    %sub3A_6 = vector.broadcast %add3A : vector<2x1xf32> to vector<2x2048xf32>
    %sub3A_7 = arith.subf %get3A_1, %sub3A_6 : vector<2x2048xf32>
    %swap3A = arith.constant 0 : index
    %swap3A_8 = arith.constant 0 : index
    %swap3A_9 = vector.load %arg1[%swap3A, %swap3A_8] : memref<2x2048xf32, #tpu.memory_space<vmem>>, vector<2x2048xf32>
    tpu.vector_store %arg1[%swap3A, %swap3A_8], %sub3A_7 {strides = array<i32>} : memref<2x2048xf32, #tpu.memory_space<vmem>>, vector<2x2048xf32>,
    return
  }
}

module attributes {stable_mosaic.version = 14 : i64} {
  func.func @_fused_body(%arg0: i32, %arg1: memref<1x512x2048xf32, #tpu.memory_space<vmem>>, %arg2: memref<512x2048xf32, #tpu.memory_space<vmem>>, %arg3: memref<2048x2xf32, #tpu.memory_space<vmem>>, %arg4: memref<2x2048xf32, #tpu.memory_space<vmem>>, %arg5: memref<512x512xf32, #tpu.memory_space<vmem>>, %arg6: memref<5x512xf32, #tpu.memory_space<vmem>>, %arg7: memref<4x2048xf32, #tpu.memory_space<vmem>>, %arg8: memref<1xf32, #tpu.memory_space<smem>>, %arg9: memref<2xf32, #tpu.memory_space<smem>>) attributes {dimension_semantics = [#tpu.dimension_semantics<arbitrary>], iteration_bounds = array<i64: 16>, scalar_prefetch = 0 : i64, scratch_operands = 3 : i64, tpu.core_type = #tpu.core_type<tc>, window_params = [{transform_indices = @transform_0, window_bounds = array<i64: 1, 512, 2048>}, {transform_indices = @transform_1, window_bounds = array<i64: 512, 2048>}, {pipeline_mode = #tpu.pipeline_mode<synchronous>, transform_indices = @transform_2, window_bounds = array<i64: 2048, 2>}, {pipeline_mode = #tpu.pipeline_mode<synchronous>, transform_indices = @transform_3, window_bounds = array<i64: 2, 2048>}, {pipeline_mode = #tpu.pipeline_mode<synchronous>, transform_indices = @transform_4, window_bounds = array<i64: 512, 512>}, {transform_indices = @transform_5, window_bounds = array<i64: 5, 512>}]} {
    %eq3A = arith.constant 0 : i32
    %eq3A_0 = arith.cmpi eq, %arg0, %eq3A : i32
    %convert_element_type3A = arith.extui %eq3A_0 : i1 to i32
    %cond3A = arith.constant 0 : i32
    %cond3A_1 = arith.cmpi ne, %convert_element_type3A, %cond3A : i32
    scf.if %cond3A_1 {
      %get3A = arith.constant 0 : index
      %get3A_10 = arith.constant 0 : index
      %get3A_11 = vector.load %arg3[%get3A, %get3A_10] : memref<2048x2xf32, #tpu.memory_space<vmem>>, vector<2048x2xf32>
      %transpose3A = tpu.transpose %get3A_11, [1, 0] : vector<2048x2xf32> -> vector<2x2048xf32>
      %swap3A = arith.constant 0 : index
      %swap3A_12 = arith.constant 0 : index
      %swap3A_13 = vector.load %arg7[%swap3A, %swap3A_12] : memref<4x2048xf32, #tpu.memory_space<vmem>>, vector<2x2048xf32>
      tpu.vector_store %arg7[%swap3A, %swap3A_12], %transpose3A {strides = array<i32>} : memref<4x2048xf32, #tpu.memory_space<vmem>>, vector<2x2048xf32>,
      %broadcast_in_dim3A = arith.constant 0.000000e+00 : f32
      %broadcast_in_dim3A_14 = vector.broadcast %broadcast_in_dim3A : f32 to vector<2x2048xf32>
      %swap3A_15 = arith.constant 2 : index
      %swap3A_16 = arith.constant 0 : index
      %swap3A_17 = vector.load %arg7[%swap3A_15, %swap3A_16] : memref<4x2048xf32, #tpu.memory_space<vmem>>, vector<2x2048xf32>
      tpu.vector_store %arg7[%swap3A_15, %swap3A_16], %broadcast_in_dim3A_14 {strides = array<i32>} : memref<4x2048xf32, #tpu.memory_space<vmem>>, vector<2x2048xf32>,
      %swap3A_18 = arith.constant 0.000000e+00 : f32
      %swap3A_19 = arith.constant 0 : index
      %swap3A_20 = memref.load %arg8[%swap3A_19] : memref<1xf32, #tpu.memory_space<smem>>
      memref.store %swap3A_18, %arg8[%swap3A_19] : memref<1xf32, #tpu.memory_space<smem>>
      %get3A_21 = arith.constant 0 : index
      %get3A_22 = arith.constant 0 : index
      %get3A_23 = vector.load %arg4[%get3A_21, %get3A_22] : memref<2x2048xf32, #tpu.memory_space<vmem>>, vector<1x2048xf32>
      %reduce_sum3A = vector.shape_cast %get3A_23 : vector<1x2048xf32> to vector<1x1x2048xf32>
      %reduce_sum3A_24 = arith.constant dense<0.000000e+00> : vector<1xf32>
      %reduce_sum3A_25 = vector.multi_reduction <add>, %reduce_sum3A, %reduce_sum3A_24 [1, 2] : vector<1x1x2048xf32> to vector<1xf32>
      %reduce_sum3A_26 = vector.shape_cast %reduce_sum3A_25 : vector<1xf32> to vector<1x1x1xf32>
      %reduce_sum3A_27 = vector.extract %reduce_sum3A_26[0, 0, 0] : f32 from vector<1x1x1xf32>
      %swap3A_28 = arith.constant 0 : index
      %swap3A_29 = memref.load %arg9[%swap3A_28] : memref<2xf32, #tpu.memory_space<smem>>
      memref.store %reduce_sum3A_27, %arg9[%swap3A_28] : memref<2xf32, #tpu.memory_space<smem>>
      %get3A_30 = arith.constant 1 : index
      %get3A_31 = arith.constant 0 : index
      %get3A_32 = vector.load %arg4[%get3A_30, %get3A_31] : memref<2x2048xf32, #tpu.memory_space<vmem>>, vector<1x2048xf32>
      %reduce_sum3A_33 = vector.shape_cast %get3A_32 : vector<1x2048xf32> to vector<1x1x2048xf32>
      %reduce_sum3A_34 = arith.constant dense<0.000000e+00> : vector<1xf32>
      %reduce_sum3A_35 = vector.multi_reduction <add>, %reduce_sum3A_33, %reduce_sum3A_34 [1, 2] : vector<1x1x2048xf32> to vector<1xf32>
      %reduce_sum3A_36 = vector.shape_cast %reduce_sum3A_35 : vector<1xf32> to vector<1x1x1xf32>
      %reduce_sum3A_37 = vector.extract %reduce_sum3A_36[0, 0, 0] : f32 from vector<1x1x1xf32>
      %swap3A_38 = arith.constant 1 : index
      %swap3A_39 = memref.load %arg9[%swap3A_38] : memref<2xf32, #tpu.memory_space<smem>>
      memref.store %reduce_sum3A_37, %arg9[%swap3A_38] : memref<2xf32, #tpu.memory_space<smem>>
    } else {
    }
    %lt3A = arith.constant 8 : i32
    %lt3A_2 = arith.cmpi slt, %arg0, %lt3A : i32
    %convert_element_type3A_3 = arith.extui %lt3A_2 : i1 to i32
    %cond3A_4 = arith.constant 0 : i32
    %cond3A_5 = arith.cmpi ne, %convert_element_type3A_3, %cond3A_4 : i32
    scf.if %cond3A_5 {
      %jit3A = arith.constant 4 : i32
      %div3A = arith.divsi %arg0, %jit3A : i32
      %sign3A = arith.constant 0 : i32
      %sign3A_10 = arith.cmpi sgt, %arg0, %sign3A : i32
      %sign3A_11 = arith.extui %sign3A_10 : i1 to i32
      %sign3A_12 = arith.constant 0 : i32
      %sign3A_13 = arith.cmpi slt, %arg0, %sign3A_12 : i32
      %sign3A_14 = arith.extui %sign3A_13 : i1 to i32
      %sign3A_15 = arith.subi %sign3A_11, %sign3A_14 : i32
      %sign3A_16 = arith.constant 0 : i32
      %sign3A_17 = arith.cmpi sgt, %jit3A, %sign3A_16 : i32
      %sign3A_18 = arith.extui %sign3A_17 : i1 to i32
      %sign3A_19 = arith.constant 0 : i32
      %sign3A_20 = arith.cmpi slt, %jit3A, %sign3A_19 : i32
      %sign3A_21 = arith.extui %sign3A_20 : i1 to i32
      %sign3A_22 = arith.subi %sign3A_18, %sign3A_21 : i32
      %ne3A = arith.cmpi ne, %sign3A_15, %sign3A_22 : i32
      %rem3A = arith.remsi %arg0, %jit3A : i32
      %ne3A_23 = arith.constant 0 : i32
      %ne3A_24 = arith.cmpi ne, %rem3A, %ne3A_23 : i32
      %and3A = arith.andi %ne3A, %ne3A_24 : i1
      %sub3A = arith.constant 1 : i32
      %sub3A_25 = arith.subi %div3A, %sub3A : i32
      %select_n3A = arith.select %and3A, %sub3A_25, %div3A : i32
      %get3A = arith.constant 0 : index
      %get3A_26 = arith.constant 0 : index
      %get3A_27 = arith.constant 0 : index
      %get3A_28 = vector.load %arg1[%get3A, %get3A_26, %get3A_27] : memref<1x512x2048xf32, #tpu.memory_space<vmem>>, vector<1x512x2048xf32>
      %get3A_29 = vector.shape_cast %get3A_28 : vector<1x512x2048xf32> to vector<512x2048xf32>
      %reduce_sum3A = arith.constant dense<0.000000e+00> : vector<2048xf32>
      %reduce_sum3A_30 = vector.multi_reduction <add>, %get3A_29, %reduce_sum3A [0] : vector<512x2048xf32> to vector<2048xf32>
      %broadcast_in_dim3A = vector.shape_cast %reduce_sum3A_30 : vector<2048xf32> to vector<1x2048xf32>
      %add3A = arith.constant 2 : i32
      %add3A_31 = arith.addi %add3A, %select_n3A : i32
      %get3A_32 = arith.index_cast %add3A_31 : i32 to index
      %get3A_33 = arith.constant 0 : index
      %get3A_34 = vector.load %arg7[%get3A_32, %get3A_33] : memref<4x2048xf32, #tpu.memory_space<vmem>>, vector<1x2048xf32>
      %add3A_35 = arith.addf %get3A_34, %broadcast_in_dim3A : vector<1x2048xf32>
      %swap3A = arith.index_cast %add3A_31 : i32 to index
      %swap3A_36 = arith.constant 0 : index
      %swap3A_37 = vector.load %arg7[%swap3A, %swap3A_36] : memref<4x2048xf32, #tpu.memory_space<vmem>>, vector<1x2048xf32>
      tpu.vector_store %arg7[%swap3A, %swap3A_36], %add3A_35 {strides = array<i32>} : memref<4x2048xf32, #tpu.memory_space<vmem>>, vector<1x2048xf32>,
    } else {
    }
    %ge3A = arith.constant 8 : i32
    %ge3A_6 = arith.cmpi sge, %arg0, %ge3A : i32
    %convert_element_type3A_7 = arith.extui %ge3A_6 : i1 to i32
    %cond3A_8 = arith.constant 0 : i32
    %cond3A_9 = arith.cmpi ne, %convert_element_type3A_7, %cond3A_8 : i32
    scf.if %cond3A_9 {
      %get3A = arith.constant 0 : index
      %get3A_10 = arith.constant 0 : index
      %get3A_11 = vector.load %arg7[%get3A, %get3A_10] : memref<4x2048xf32, #tpu.memory_space<vmem>>, vector<4x2048xf32>
      %get3A_12 = arith.constant 0 : index
      %get3A_13 = arith.constant 0 : index
      %get3A_14 = vector.load %arg2[%get3A_12, %get3A_13] : memref<512x2048xf32, #tpu.memory_space<vmem>>, vector<512x2048xf32>
      %dot_general3A = arith.constant dense<0.000000e+00> : vector<4x512xf32>
      %dot_general3A_15 = tpu.matmul %get3A_11, %get3A_14, %dot_general3A {dimension_numbers = #tpu.dot_dimension_numbers<[1], [1], [0], [0], [0, 0, 1, 0], [], []>, transpose_lhs_hint = false} : vector<4x2048xf32>, vector<512x2048xf32>, vector<4x512xf32> -> vector<4x512xf32>
      %slice3A = vector.extract_strided_slice %dot_general3A_15 {offsets = [1, 0], sizes = [1, 512], strides = [1, 1]} : vector<4x512xf32> to vector<1x512xf32>
      %slice3A_16 = vector.extract_strided_slice %dot_general3A_15 {offsets = [0, 0], sizes = [1, 512], strides = [1, 1]} : vector<4x512xf32> to vector<1x512xf32>
      %gt3A = arith.cmpf ogt, %slice3A, %slice3A_16 : vector<1x512xf32>
      %convert_element_type3A_17 = arith.extui %gt3A : vector<1x512xi1> to vector<1x512xi32>
      %convert_element_type3A_18 = arith.sitofp %convert_element_type3A_17 : vector<1x512xi32> to vector<1x512xf32>
      %get3A_19 = arith.constant 0 : index
      %get3A_20 = arith.constant 0 : index
      %get3A_21 = vector.load %arg5[%get3A_19, %get3A_20] : memref<512x512xf32, #tpu.memory_space<vmem>>, vector<512x512xf32>
      %dot_general3A_22 = arith.constant dense<0.000000e+00> : vector<1x512xf32>
      %dot_general3A_23 = tpu.matmul %convert_element_type3A_18, %get3A_21, %dot_general3A_22 {dimension_numbers = #tpu.dot_dimension_numbers<[1], [0], [0], [1], [0, 0, 1, 1], [], []>, transpose_lhs_hint = false} : vector<1x512xf32>, vector<512x512xf32>, vector<1x512xf32> -> vector<1x512xf32>
      %slice3A_24 = vector.extract_strided_slice %dot_general3A_15 {offsets = [0, 0], sizes = [2, 512], strides = [1, 1]} : vector<4x512xf32> to vector<2x512xf32>
      %swap3A = arith.constant 0 : index
      %swap3A_25 = arith.constant 0 : index
      %swap3A_26 = vector.load %arg6[%swap3A, %swap3A_25] : memref<5x512xf32, #tpu.memory_space<vmem>>, vector<2x512xf32>
      tpu.vector_store %arg6[%swap3A, %swap3A_25], %slice3A_24 {strides = array<i32>} : memref<5x512xf32, #tpu.memory_space<vmem>>, vector<2x512xf32>,
      %slice3A_27 = vector.extract_strided_slice %dot_general3A_15 {offsets = [2, 0], sizes = [1, 512], strides = [1, 1]} : vector<4x512xf32> to vector<1x512xf32>
      %get3A_28 = arith.constant 0 : index
      %get3A_29 = memref.load %arg9[%get3A_28] : memref<2xf32, #tpu.memory_space<smem>>
      %add3A = vector.broadcast %get3A_29 : f32 to vector<1x512xf32>
      %add3A_30 = arith.addf %slice3A_27, %add3A : vector<1x512xf32>
      %swap3A_31 = arith.constant 2 : index
      %swap3A_32 = arith.constant 0 : index
      %swap3A_33 = vector.load %arg6[%swap3A_31, %swap3A_32] : memref<5x512xf32, #tpu.memory_space<vmem>>, vector<1x512xf32>
      tpu.vector_store %arg6[%swap3A_31, %swap3A_32], %add3A_30 {strides = array<i32>} : memref<5x512xf32, #tpu.memory_space<vmem>>, vector<1x512xf32>,
      %slice3A_34 = vector.extract_strided_slice %dot_general3A_15 {offsets = [3, 0], sizes = [1, 512], strides = [1, 1]} : vector<4x512xf32> to vector<1x512xf32>
      %get3A_35 = arith.constant 1 : index
      %get3A_36 = memref.load %arg9[%get3A_35] : memref<2xf32, #tpu.memory_space<smem>>
      %add3A_37 = vector.broadcast %get3A_36 : f32 to vector<1x512xf32>
      %add3A_38 = arith.addf %slice3A_34, %add3A_37 : vector<1x512xf32>
      %swap3A_39 = arith.constant 3 : index
      %swap3A_40 = arith.constant 0 : index
      %swap3A_41 = vector.load %arg6[%swap3A_39, %swap3A_40] : memref<5x512xf32, #tpu.memory_space<vmem>>, vector<1x512xf32>
      tpu.vector_store %arg6[%swap3A_39, %swap3A_40], %add3A_38 {strides = array<i32>} : memref<5x512xf32, #tpu.memory_space<vmem>>, vector<1x512xf32>,
      %get3A_42 = arith.constant 0 : index
      %get3A_43 = memref.load %arg8[%get3A_42] : memref<1xf32, #tpu.memory_space<smem>>
      %add3A_44 = vector.broadcast %get3A_43 : f32 to vector<1x512xf32>
      %add3A_45 = arith.addf %dot_general3A_23, %add3A_44 : vector<1x512xf32>
      %swap3A_46 = arith.constant 4 : index
      %swap3A_47 = arith.constant 0 : index
      %swap3A_48 = vector.load %arg6[%swap3A_46, %swap3A_47] : memref<5x512xf32, #tpu.memory_space<vmem>>, vector<1x512xf32>
      tpu.vector_store %arg6[%swap3A_46, %swap3A_47], %add3A_45 {strides = array<i32>} : memref<5x512xf32, #tpu.memory_space<vmem>>, vector<1x512xf32>,
      %get3A_49 = arith.constant 0 : index
      %get3A_50 = memref.load %arg8[%get3A_49] : memref<1xf32, #tpu.memory_space<smem>>
      %reduce_sum3A = vector.shape_cast %convert_element_type3A_18 : vector<1x512xf32> to vector<1x1x512xf32>
      %reduce_sum3A_51 = arith.constant dense<0.000000e+00> : vector<1xf32>
      %reduce_sum3A_52 = vector.multi_reduction <add>, %reduce_sum3A, %reduce_sum3A_51 [1, 2] : vector<1x1x512xf32> to vector<1xf32>
      %reduce_sum3A_53 = vector.shape_cast %reduce_sum3A_52 : vector<1xf32> to vector<1x1x1xf32>
      %reduce_sum3A_54 = vector.extract %reduce_sum3A_53[0, 0, 0] : f32 from vector<1x1x1xf32>
      %add3A_55 = arith.addf %get3A_50, %reduce_sum3A_54 : f32
      %swap3A_56 = arith.constant 0 : index
      %swap3A_57 = memref.load %arg8[%swap3A_56] : memref<1xf32, #tpu.memory_space<smem>>
      memref.store %add3A_55, %arg8[%swap3A_56] : memref<1xf32, #tpu.memory_space<smem>>
    } else {
    }
    return
  }
  func.func @transform_0(%arg0: i32) -> (i32, i32, i32) {
    %min3A = arith.constant 7 : i32
    %min3A_0 = arith.minsi %arg0, %min3A : i32
    %jit3A = arith.constant 4 : i32
    %div3A = arith.divsi %min3A_0, %jit3A : i32
    %sign3A = arith.constant 0 : i32
    %sign3A_1 = arith.cmpi sgt, %min3A_0, %sign3A : i32
    %sign3A_2 = arith.extui %sign3A_1 : i1 to i32
    %sign3A_3 = arith.constant 0 : i32
    %sign3A_4 = arith.cmpi slt, %min3A_0, %sign3A_3 : i32
    %sign3A_5 = arith.extui %sign3A_4 : i1 to i32
    %sign3A_6 = arith.subi %sign3A_2, %sign3A_5 : i32
    %sign3A_7 = arith.constant 0 : i32
    %sign3A_8 = arith.cmpi sgt, %jit3A, %sign3A_7 : i32
    %sign3A_9 = arith.extui %sign3A_8 : i1 to i32
    %sign3A_10 = arith.constant 0 : i32
    %sign3A_11 = arith.cmpi slt, %jit3A, %sign3A_10 : i32
    %sign3A_12 = arith.extui %sign3A_11 : i1 to i32
    %sign3A_13 = arith.subi %sign3A_9, %sign3A_12 : i32
    %ne3A = arith.cmpi ne, %sign3A_6, %sign3A_13 : i32
    %rem3A = arith.remsi %min3A_0, %jit3A : i32
    %ne3A_14 = arith.constant 0 : i32
    %ne3A_15 = arith.cmpi ne, %rem3A, %ne3A_14 : i32
    %and3A = arith.andi %ne3A, %ne3A_15 : i1
    %sub3A = arith.constant 1 : i32
    %sub3A_16 = arith.subi %div3A, %sub3A : i32
    %select_n3A = arith.select %and3A, %sub3A_16, %div3A : i32
    %min3A_17 = arith.constant 7 : i32
    %min3A_18 = arith.minsi %arg0, %min3A_17 : i32
    %jit3A_19 = arith.constant 4 : i32
    %eq3A = arith.constant 0 : i32
    %eq3A_20 = arith.cmpi eq, %jit3A_19, %eq3A : i32
    %jit3A_21 = arith.constant 1 : i32
    %select_n3A_22 = arith.select %eq3A_20, %jit3A_21, %jit3A_19 : i32
    %rem3A_23 = arith.remsi %min3A_18, %select_n3A_22 : i32
    %ne3A_24 = arith.constant 0 : i32
    %ne3A_25 = arith.cmpi ne, %rem3A_23, %ne3A_24 : i32
    %lt3A = arith.constant 0 : i32
    %lt3A_26 = arith.cmpi slt, %rem3A_23, %lt3A : i32
    %lt3A_27 = arith.constant 0 : i32
    %lt3A_28 = arith.cmpi slt, %select_n3A_22, %lt3A_27 : i32
    %ne3A_29 = arith.xori %lt3A_26, %lt3A_28 : i1
    %and3A_30 = arith.andi %ne3A_29, %ne3A_25 : i1
    %add3A = arith.addi %rem3A_23, %select_n3A_22 : i32
    %select_n3A_31 = arith.select %and3A_30, %add3A, %rem3A_23 : i32
    %c0_i32 = arith.constant 0 : i32
    %c0_i32_32 = arith.constant 0 : i32
    return %select_n3A, %select_n3A_31, %c0_i32 : i32, i32, i32
  }
  func.func @transform_1(%arg0: i32) -> (i32, i32) {
    %sub3A = arith.constant 8 : i32
    %sub3A_0 = arith.subi %arg0, %sub3A : i32
    %max3A = arith.constant 0 : i32
    %max3A_1 = arith.maxsi %sub3A_0, %max3A : i32
    %c0_i32 = arith.constant 0 : i32
    %c0_i32_2 = arith.constant 0 : i32
    return %max3A_1, %c0_i32 : i32, i32
  }
  func.func @transform_2(%arg0: i32) -> (i32, i32) {
    %c0_i32 = arith.constant 0 : i32
    %c0_i32_0 = arith.constant 0 : i32
    %c0_i32_1 = arith.constant 0 : i32
    return %c0_i32, %c0_i32_0 : i32, i32
  }
  func.func @transform_3(%arg0: i32) -> (i32, i32) {
    %c0_i32 = arith.constant 0 : i32
    %c0_i32_0 = arith.constant 0 : i32
    %c0_i32_1 = arith.constant 0 : i32
    return %c0_i32, %c0_i32_0 : i32, i32
  }
  func.func @transform_4(%arg0: i32) -> (i32, i32) {
    %c0_i32 = arith.constant 0 : i32
    %c0_i32_0 = arith.constant 0 : i32
    %c0_i32_1 = arith.constant 0 : i32
    return %c0_i32, %c0_i32_0 : i32, i32
  }
  func.func @transform_5(%arg0: i32) -> (i32, i32) {
    %sub3A = arith.constant 8 : i32
    %sub3A_0 = arith.subi %arg0, %sub3A : i32
    %max3A = arith.constant 0 : i32
    %max3A_1 = arith.maxsi %sub3A_0, %max3A : i32
    %c0_i32 = arith.constant 0 : i32
    %c0_i32_2 = arith.constant 0 : i32
    return %c0_i32, %max3A_1 : i32, i32
  }
}

</mosaic_0001>

<sc_bundles>
// kernel: kernel.5.cloned.1.call-start
scs
__scs_entry_jumppad:
0x0: {  	(pc) =	sbr.rel $0x88, $3  }
0x1: {  	(tag) =	ssettag $0x0;
	lr =	simm.s32 $0x1  }
0x2: {  	[smem:$0x3F9D] =	sst lr;
	_ =	strace $0xD0000000  }
0x3: {  	_ = 	snop  }
0x4: {  	_ = 	snop  }
0x5: {  	_ = 	snop  }
0x6: {  	_ = 	snop  }
0x7: {  	_ = 	snop  }
__scs_overlays_trampoline_lowered:
0x8: {  	[smem:$0x3FAC] =	sst s0  }
0x9: {  	[smem:$0x3FAD] =	sst s1  }
0xa: {  	[smem:$0x3FAE] =	sst s2  }
0xb: {  	[smem:$0x3FAF] =	sst s3  }
0xc: {  	[smem:$0x3FB0] =	sst s4  }
0xd: {  	[smem:$0x3FB1] =	sst s5  }
0xe: {  	[smem:$0x3FB2] =	sst s6  }
0xf: {  	[smem:$0x3FB3] =	sst s7  }
0x10: {  	[smem:$0x3FB4] =	sst s8  }
0x11: {  	[smem:$0x3FB5] =	sst s9;
	s0 =	simm.s32 @!p0 $0x0  }
0x12: {  	s1 =	sld [smem:$0x3F9B];
	s0 =	simm.s32 @p0 $0x1  }
0x13: {  	[smem:$0x3FB6] =	sst s0;
	s0 =	simm.s32 @!p1 $0x0  }
0x14: {  	s2 =	sld [smem:$0x3F9A];
	s0 =	simm.s32 @p1 $0x1  }
0x15: {  	[smem:$0x3FB7] =	sst s0;
	s0 =	simm.s32 @!p2 $0x0  }
0x16: {  	s3 =	sld [smem:$0x3FDB];
	s0 =	simm.s32 @p2 $0x1  }
0x17: {  	s4 =	simm.s32 $0x1BF5;
	[smem:$0x3FB9] =	sst s0  }
0x18: {  	s0 =	sld [smem:$0x3F9C];
	_ =	swait.ge [sflag:s4], $0x0  }
0x19: {  	s7 =	sld [smem:$0x3F9D]  }
0x1a: {  	s8 =	sadd.s32 $0xFFFFE003, lr  }
0x1b: {  	s9 =	sadd.s32 $0xFFFFFEF7, lr;
	s5 =	simm.s32 $0xFFFFFFFF;
	p2 =	slt.u32 s8, $0xFFFFF086  }
0x1c: {  	p1 =	slt.u32 s9, $0xF7A;
	s5 =	simm.s32 @!p2 $0x0  }
0x1d: {  	s5 =	simm.s32 @p1 $0x1;
	p0 =	seq.s32 s7, s2  }
0x1e: {  	s7 =	smul.u32 @!p0 $0xF7A, s2;
	p2 =	seq.s32 @!p0 s5, $0x0  }
0x1f: {  	s9 =	smul.u32 $0xF7A, s1;
	s8 =	simm.s32 @!p0 $0x1BF5;
	p2 =	por !p2, p0  }
0x20: {  	[sflag:s8] =	ssyncset.s32 @!p0 $0xFFFFF086;
	s6 =	sadd.s32 @!p0 s3, s7;
	s7 =	simm.s32 @!p0 $0x108  }
0x21: {  	s3 =	sadd.s32 s3, s9;
	s6 =	sadd.s32 @!p0 $0x88, s6;
	s7 =	simm.s32 @p2 $0x1082  }
0x22: {  	[simem:s7], [sflag:s8] =	dma.local @!p0 [hbm:s6], $0xF7A  }
0x23: {  	s9 =	sor.u32 $0xD0000000, s2;
	s6 =	simm.s32 $0x108;
	_ =	swait.ge @!p0 [sflag:s8], $0x0  }
0x24: {  	s3 =	sadd.s32 $0x88, s3;
	s6 =	simm.s32 @!p1 $0x1082;
	[sflag:s4] =	ssyncset.s32 $0xFFFFF086  }
0x25: {  	[simem:s6], [sflag:s4] =	dma.local [hbm:s3], $0xF7A  }
0x26: {  	[smem:$0x3F9D] =	sst s1;
	(tag) =	ssettag s2;
	_ =	strace s9  }
0x27: {  	s1 =	sld [smem:$0x3FAD]  }
0x28: {  	s2 =	sld [smem:$0x3FAE]  }
0x29: {  	s4 =	sld [smem:$0x3FB0]  }
0x2a: {  	p0 =	seq.s32 s5, $0x0;
	s5 =	sld [smem:$0x3FB1]  }
0x2b: {  	s6 =	sld [smem:$0x3FB2]  }
0x2c: {  	s7 =	sld [smem:$0x3FB3]  }
0x2d: {  	s3 =	simm.s32 $0x108;
	s8 =	sld [smem:$0x3FB4]  }
0x2e: {  	s3 =	simm.s32 @!p0 $0x1082;
	s9 =	sld [smem:$0x3FB5]  }
0x2f: {  	lr =	sadd.s32 s0, s3;
	s0 =	sld [smem:$0x3FAC]  }
0x30: {  	s3 =	sld [smem:$0x3FAF]  }
0x31: {  	[smem:$0x3FB8] =	sst s10  }
0x32: {  	s10 =	sld [smem:$0x3FB6];
	_ =	sdelay $0x3  }
0x33: {  	p0 =	seq.s32 s10, $0x1;
	s10 =	sld [smem:$0x3FB8];
	_ =	sdelay $0x3  }
0x34: {  	[smem:$0x3FB8] =	sst s10  }
0x35: {  	s10 =	sld [smem:$0x3FB7];
	_ =	sdelay $0x3  }
0x36: {  	p1 =	seq.s32 s10, $0x1;
	s10 =	sld [smem:$0x3FB8];
	_ =	sdelay $0x3  }
0x37: {  	[smem:$0x3FB8] =	sst s10  }
0x38: {  	s10 =	sld [smem:$0x3FB9]  }
0x39: {  	_ = 	snop;
	(pc) =	sbr.ind lr, $3  }
0x3a: {  	_ = 	snop  }
0x3b: {  	_ = 	snop  }
0x3c: {  	p2 =	seq.s32 s10, $0x1;
	s10 =	sld [smem:$0x3FB8]  }
0x3d: {  	_ =	shalt  }
0x3e: {  	_ =	shalt  }
0x3f: {  	_ =	shalt  }
0x40: {  	_ =	shalt  }
0x41: {  	_ =	shalt  }
0x42: {  	_ =	shalt  }
0x43: {  	_ =	shalt  }
0x44: {  	_ =	shalt  }
0x45: {  	_ =	shalt  }
0x46: {  	_ =	shalt  }
0x47: {  	_ =	shalt  }
0x48: {  	_ =	shalt  }
0x49: {  	_ =	shalt  }
0x4a: {  	_ =	shalt  }
0x4b: {  	_ =	shalt  }
0x4c: {  	_ =	shalt  }
0x4d: {  	_ =	shalt  }
0x4e: {  	_ =	shalt  }
0x4f: {  	_ =	shalt  }
0x50: {  	_ =	shalt  }
0x51: {  	_ =	shalt  }
0x52: {  	_ =	shalt  }
0x53: {  	_ =	shalt  }
0x54: {  	_ =	shalt  }
0x55: {  	_ =	shalt  }
0x56: {  	_ =	shalt  }
0x57: {  	_ =	shalt  }
0x58: {  	_ =	shalt  }
0x59: {  	_ =	shalt  }
0x5a: {  	_ =	shalt  }
0x5b: {  	_ =	shalt  }
0x5c: {  	_ =	shalt  }
0x5d: {  	_ =	shalt  }
0x5e: {  	_ =	shalt  }
0x5f: {  	_ =	shalt  }
0x60: {  	_ =	shalt  }
0x61: {  	_ =	shalt  }
0x62: {  	_ =	shalt  }
0x63: {  	_ =	shalt  }
0x64: {  	_ =	shalt  }
0x65: {  	_ =	shalt  }
0x66: {  	_ =	shalt  }
0x67: {  	_ =	shalt  }
0x68: {  	_ =	shalt  }
0x69: {  	_ =	shalt  }
0x6a: {  	_ =	shalt  }
0x6b: {  	_ =	shalt  }
0x6c: {  	_ =	shalt  }
0x6d: {  	_ =	shalt  }
0x6e: {  	_ =	shalt  }
0x6f: {  	_ =	shalt  }
0x70: {  	_ =	shalt  }
0x71: {  	_ =	shalt  }
0x72: {  	_ =	shalt  }
0x73: {  	_ =	shalt  }
0x74: {  	_ =	shalt  }
0x75: {  	_ =	shalt  }
0x76: {  	_ =	shalt  }
0x77: {  	_ =	shalt  }
0x78: {  	_ =	shalt  }
0x79: {  	_ =	shalt  }
0x7a: {  	_ =	shalt  }
0x7b: {  	_ =	shalt  }
0x7c: {  	_ =	shalt  }
0x7d: {  	_ =	shalt  }
0x7e: {  	_ =	shalt  }
0x7f: {  	_ =	shalt  }
0x80: {  	_ =	shalt  }
0x81: {  	_ =	shalt  }
0x82: {  	_ =	shalt  }
0x83: {  	_ =	shalt  }
0x84: {  	_ =	shalt  }
0x85: {  	_ =	shalt  }
0x86: {  	_ =	shalt  }
0x87: {  	_ =	shalt  }
.Lfunc_end0:
.L_simem_size_0:
called_computation_lowered:
.L_overlay_start_0:
0x88: {  	s2 =	sld [smem:$0x3FD9]  }
0x89: {  	s3 =	sld [smem:$0x3FFE];
	_ =	sdelay $0x1  }
0x8a: {  	s1 =	srdreg.scid  }
0x8b: {  	s0 =	sand.u32 $0x1, s1  }
0x8c: {  	s17 =	sshll.u32 s0, $0xA;
	s2 =	sadd.s32 s3, s2  }
0x8d: {  	s2 =	sadd.s32 s2, s17  }
0x8e: {  	[smem:$0x3FC4] =	sst s2  }
0x8f: {  	_ = 	snop  }
0x90: {  	s2 =	sld [smem:$0x3FD0];
	(tm) =	ssettm $0x1  }
0x91: {  	s18 =	sld [smem:$0x3FFB];
	_ =	sdelay $0x3  }
0x92: {  	_ =	strace s18  }
0x93: {  	s3 =	sld [smem:$0x3FFC];
	_ =	sdelay $0x3  }
0x94: {  	_ =	strace s3  }
0x95: {  	s3 =	sld [smem:$0x3FFD];
	_ =	sdelay $0x3  }
0x96: {  	_ =	strace s3  }
0x97: {  	_ =	strace $0x8FFFFFFF  }
0x98: {  	s19 =	sld [smem:$0x3FDB];
	_ =	sdelay $0x1  }
0x99: {  	s4 =	simm.s32 $_scs_section_size  }
0x9a: {  	s5 =	simm.s32 $_size__tile_overlayer_lowered;
	s6 =	simm.s32 $_tile_overlayer_lowered  }
0x9b: {  	s22 =	simm.s32 $0x1BFF;
	s21 =	sshll.u32 s6, $0x1;
	s3 =	sadd.s32 s4, s19  }
0x9c: {  	s7 =	simm.s32 $0x0;
	s20 =	sshll.u32 s5, $0x1;
	s5 =	sadd.s32 s21, s3  }
0x9d: {  	[timem:s7], [sflag:s22] =	dma.local [hbm:s5], s20  }
0x9e: {  	_ =	swait.ge [sflag:s22], s20  }
0x9f: {  	s4 =	ssub.s32 $0x0, s20;
	[sflag:s22] =	ssyncset.done $0x0  }
0xa0: {  	[sflag:s22] =	ssyncadd.s32 s4;
	_ =	sdelay $0x1  }
0xa1: {  	s23 =	simm.s32 $0x1B8B  }
0xa2: {  	_ =	swait.ge [sflag:s23], $0x1  }
0xa3: {  	[sflag:s23] =	ssyncset.done $0x0  }
0xa4: {  	s25 =	simm.s32 $0x1B8E;
	s24 =	sld [smem:$0x3FFE];
	[sflag:s23] =	ssyncadd.s32 $0xFFFFFFFF  }
0xa5: {  	s26 =	simm.s32 $execute0_lowered;
	[smem:$0x3FD2] =	sst s25  }
0xa6: {  	s5 =	sshll.u32 s26, $0x1;
	_ =	strace $0x80000046;
	[dreg:$0x1] =	wrdreg $0xFFFFFFFF  }
0xa7: {  	s28 =	simm.s32 $_size_execute0_lowered;
	s3 =	sadd.s32 s3, s5;
	[dreg:$0x0] =	wrdreg $0x0  }
0xa8: {  	s5 =	sshll.u32 s28, $0x1;
	[dreg:$0x2] =	wrdreg s3  }
0xa9: {  	[dreg:$0x3] =	wrdreg s5  }
0xaa: {  	[dreg:$0x4] =	wrdreg $0xC0  }
0xab: {  	_ =	task [dreg:s7], $0x5FFFF  }
0xac: {  	[dreg:$0x1] =	wrdreg $0xFFFFFFFF  }
0xad: {  	[dreg:$0x0] =	wrdreg $0x60  }
0xae: {  	[dreg:$0x2] =	wrdreg s24  }
0xaf: {  	[dreg:$0x3] =	wrdreg s2  }
0xb0: {  	[dreg:$0x4] =	wrdreg $0x9  }
0xb1: {  	_ =	task.clear_ibuf [dreg:s7], $0x5FFFF;
	_ =	strace $0x90000046  }
0xb2: {  	s29 =	simm.s32 $0x9;
	_ =	strace $0x80000048  }
0xb3: {  	_ =	swait.ge [sflag:s29], $0x1  }
0xb4: {  	[sflag:s29] =	ssyncadd.s32 $0xFFFFFFFF  }
0xb5: {  	_ =	strace $0x90000048  }
0xb6: {  	_ =	sfence  }
0xb7: {  	s30 =	sld [smem:$0x0];
	_ =	sdelay $0x2  }
0xb8: {  	s31 =	sshll.u32 s1, $0xD;
	s1 =	sshrl.u32 s1, $0x2  }
0xb9: {  	s3 =	sand.u32 $0x4000, s31;
	s1 =	sadd.s32 s1, s30  }
0xba: {  	s0 =	sor.u32 s3, s0;
	s1 =	sshll.u32 s1, $0x11  }
0xbb: {  	s0 =	sor.u32 s1, s0  }
0xbc: {  	s0 =	sadd.s32 $0x8F2B, s0  }
0xbd: {  	[sflag:s0] =	ssyncadd.remote.s32 $0x1  }
0xbe: {  	_ =	sfence.sel $0xFFFF  }
0xbf: {  	[dreg:$0x0] =	wrdreg $0xFFFFFFFF;
	(pc) =	sbr.abs _section_cstart, $3  }
0xc0: {  	[dreg:$0x1] =	wrdreg $0xFFFFFFFF  }
0xc1: {  	_ =	task.clear_ibuf [dreg:s7], $0x2FFFF;
	_ =	strace $0x9FFFFFFF  }
0xc2: {  	(tm) =	ssettm $0x7FFFFFFF  }
0xc3: {  	_ =	shalt  }
tec
execute0_lowered:
.L_overlay_start_1:
0x0: {  	(tag) =	ssettag $0x1  }
0x1: {  	s2 =	srdreg.scid  }
0x2: {  	s3 =	rddreg [dreg:$0x0];
	s1 =	stileid.u32;
	s9 =	sand.u32 $0x1, s2  }
0x3: {  	s7 =	rddreg [dreg:$0x1];
	s4 =	sshll.u32 s1, $0x8;
	s5 =	sshll.u32 s9, $0x7  }
0x4: {  	s0 =	rddreg [dreg:$0x2];
	s2 =	simm.s32 $0x0;
	s8 =	sor.u32 s5, s4  }
0x5: {  	s6 =	simm.s32 $0x8000;
	[smem:$0x7FF] =	sst s2;
	s3 =	sadd.s32 s8, s3  }
0x6: {  	_ =	strace $0x80000047;
	s5 =	sadd.s32 $0x800, s3;
	s3 =	simm.s32 $0x400  }
0x7: {  	[tilespmem:s2], [sflag:$0x1] =	stream.strided.gather [hbm4b:s5+s3], $0x0, s6, s3, $0x38;
	[tilespmem:$0x480] =	vst v63  }
0x8: {  	s4 =	simm.s32 $0x1  }
0x9: {  	[tilespmem:s2], [sflag:$0x1] =	stream.linear.gather [hbm4b:s5+s2], $0x280, $0x38;
	[tilespmem:$0x480] =	vst v63  }
0xa: {  	_ =	swait.ge [sflag:s4], $0x280  }
0xb: {  	[sflag:s4] =	ssyncset.done $0x0  }
0xc: {  	[sflag:s4] =	ssyncadd.s32 $0xFFFFFD80  }
0xd: {  	v12 =	vld [tilespmem:$0x260]  }
0xe: {  	v9 =	vld [tilespmem:$0x200]  }
0xf: {  	v13 =	vld [tilespmem:$0x250]  }
0x10: {  	v17 =	vld [tilespmem:$0xF0]  }
0x11: {  	v18 =	vld [tilespmem:$0x270]  }
0x12: {  	v19 =	vld [tilespmem:$0x210]  }
0x13: {  	v10 =	vld [tilespmem:$0x230]  }
0x14: {  	v20 =	vld [tilespmem:$0xC0]  }
0x15: {  	v14 =	vld [tilespmem:$0xD0]  }
0x16: {  	v15 =	vld [tilespmem:$0x50]  }
0x17: {  	v16 =	vld [tilespmem:$0xE0]  }
0x18: {  	v21 =	vld [tilespmem:$0x60]  }
0x19: {  	v22 =	vld [tilespmem:$0x20]  }
0x1a: {  	v23 =	vld [tilespmem:$0xA0]  }
0x1b: {  	v0 =	vlaneseq.u32;
	s10 =	sor.u32 $0x10, s8;
	s11 =	sor.u32 $0x20, s8;
	v24 =	vld [tilespmem:$0x0]  }
0x1c: {  	v1 =	vor.u32 s8, v0;
	s25 =	sor.u32 $0x30, s8;
	s26 =	sor.u32 $0x40, s8;
	v3 =	vor.u32 s10, v0;
	v4 =	vor.u32 s11, v0;
	v28 =	vld [tilespmem:$0x70]  }
0x1d: {  	s28 =	sor.u32 $0x50, s8;
	v5 =	vor.u32 s25, v0;
	v2 =	vcvt.s32.f32 v1;
	v1 =	vor.u32 s26, v0;
	v29 =	vld [tilespmem:$0x10]  }
0x1e: {  	s29 =	sor.u32 $0x60, s8;
	v6 =	vor.u32 s28, v0;
	v3 =	vcvt.s32.f32 v3;
	v4 =	vcvt.s32.f32 v4;
	v30 =	vld [tilespmem:$0x80]  }
0x1f: {  	s30 =	sor.u32 $0x70, s8;
	v7 =	vor.u32 s29, v0;
	v5 =	vcvt.s32.f32 v5;
	v1 =	vcvt.s32.f32 v1;
	v55 =	vld [tilespmem:$0x90]  }
0x20: {  	v0 =	vor.u32 s30, v0;
	v6 =	vcvt.s32.f32 v6;
	v7 =	vcvt.s32.f32 v7;
	v56 =	vld [tilespmem:$0x40]  }
0x21: {  	v8 =	vcvt.s32.f32 v0;
	v32 =	vld [tilespmem:$0x30];
	v11 =	vsub.f32 v5, v10;
	v25 =	vsub.f32 v14, v15  }
0x22: {  	v33 =	vld [tilespmem:$0xB0];
	v26 =	vsub.f32 v3, v19;
	v27 =	vsub.f32 v7, v12;
	vm0 =	vgt.f32 v16, v21  }
0x23: {  	v16 =	vsub.f32 v16, v21;
	v54 =	vsub.f32 v8, v18;
	vm1 =	vgt.f32 v23, v22  }
0x24: {  	v22 =	vsub.f32 v23, v22;
	v31 =	vsub.f32 v6, v13;
	vm4 =	vgt.f32 v14, v15  }
0x25: {  	v15 =	vsub.f32 v17, v28;
	v14 =	vsub.f32 v2, v9;
	v25 =	vand.u32 $0x7FFFFFFF, v25  }
0x26: {  	v0 =	vimm.f32 $0.0e+00;
	v57 =	vsub.f32 v55, v29;
	v25 =	vsub.f32 $0.0e+00, v25  }
0x27: {  	vm2 =	vgt.f32 v30, v24;
	v58 =	vsub.f32 v20, v56;
	v60 =	vsub.f32 v33, v32  }
0x28: {  	vm6 =	vgt.f32 v17, v28;
	v22 =	vand.u32 $0x7FFFFFFF, v22;
	v25 =	vmul.f32 $1.442695020e+00, v25  }
0x29: {  	v13 =	vsel vm4, v13, v31;
	v15 =	vand.u32 $0x7FFFFFFF, v15;
	v22 =	vsub.f32 $0.0e+00, v22  }
0x2a: {  	vm7 =	vlt.f32 v13, $2.048000000e+03;
	v13 =	vsub.f32 v30, v24;
	(erf) = vpow2.f32 v25  }
0x2b: {  	vm3 =	vgt.f32 v33, v32;
	v16 =	vand.u32 $0x7FFFFFFF, v16;
	v59 =	vsub.f32 $0.0e+00, v15  }
0x2c: {  	s9 =	ssub.s32 $0x2, s9;
	v16 =	vsub.f32 $0.0e+00, v16;
	v22 =	vmul.f32 $1.442695020e+00, v22;
	v13 =	vand.u32 $0x7FFFFFFF, v13  }
0x2d: {  	s31 =	sshrl.u32 s9, $0x1;
	v24 =	vand.u32 $0x7FFFFFFF, v57;
	v30 =	vmul.f32 $1.442695020e+00, v59;
	v13 =	vsub.f32 $0.0e+00, v13  }
0x2e: {  	s9 =	ssub.s32 s9, s31;
	v24 =	vsub.f32 $0.0e+00, v24;
	v15 =	vmul.f32 $1.442695020e+00, v16;
	(erf) = vpow2.f32 v22  }
0x2f: {  	s9 =	smax.u32 s9, $0x1;
	v16 =	vld [tilespmem:$0x220];
	v25 =	vand.u32 $0x7FFFFFFF, v58;
	v13 =	vmul.f32 $1.442695020e+00, v13;
	(erf) = vpow2.f32 v30  }
0x30: {  	p0 =	sne.s32 s9, $0x1;
	vm9 =	vgt.f32 v55, v29;
	v17 =	vand.u32 $0x7FFFFFFF, v60;
	v61 =	vsub.f32 $0.0e+00, v25  }
.Ltmp0:
0x31: {  	vm5 =	vgt.f32 v20, v56;
	v17 =	vsub.f32 $0.0e+00, v17;
	v62 =	vmul.f32 $1.442695020e+00, v24;
	(pc) =	sbr.rel @!p0 .LBB2_2-.Ltmp0, $4  }
0x32: {  	v12 =	vsel vm0, v12, v27;
	v22 =	vmul.f32 $1.442695020e+00, v61;
	(erf) = vpow2.f32 v13  }
0x33: {  	v18 =	vsel vm6, v18, v54;
	v63 =	vmul.f32 $1.442695020e+00, v17;
	v13 =	vpop (erf);
	(erf) = vpow2.f32 v62  }
0x34: {  	s8 =	sshrl.u32 s8, $0x3;
	vm8 =	vlt.f32 v18, $2.048000000e+03;
	v18 =	vsub.f32 v4, v16;
	(erf) = vpow2.f32 v22  }
0x35: {  	s7 =	sadd.s32 s7, s8;
	s8 =	sadd.s32 $0xFFFFFFFF, s9;
	v17 =	vadd.f32 $1.000000000e+00, v13;
	v13 =	vsel vm9, v19, v26;
	(erf) = vpow2.f32 v63  }
.LBB2_1:
0x36: {  	p0 =	sne.s32 s8, $0x1;
	s8 =	sadd.s32 $0xFFFFFFFF, s8;
	v16 =	vsel vm1, v16, v18;
	v10 =	vsel vm3, v10, v11;
	(erf) = vpow2.f32 v15  }
0x37: {  	vm11 =	vlt.f32 v12, $2.048000000e+03;
	vm10 =	vlt.f32 v16, $2.048000000e+03;
	v11 =	vpop (erf);
	(erf) = vrcp.f32 v17  }
0x38: {  	v9 =	vsel vm2, v9, v14;
	v11 =	vadd.f32 $1.000000000e+00, v11;
	v12 =	vpop (erf)  }
0x39: {  	v14 =	vld [tilespmem:$0x1D0];
	v12 =	vadd.f32 $1.000000000e+00, v12  }
0x3a: {  	v15 =	vld [tilespmem:$0x150]  }
0x3b: {  	v16 =	vld [tilespmem:$0x1A0];
	v17 =	vpop (erf);
	(erf) = vrcp.f32 v12  }
0x3c: {  	v23 =	vadd.f32 $1.000000000e+00, v17;
	v17 =	vld [tilespmem:$0x1E0];
	v18 =	vpop (erf)  }
0x3d: {  	v19 =	vsel vm7, $0x3F800000, v0;
	v18 =	vadd.f32 $1.000000000e+00, v18;
	v20 =	vld [tilespmem:$0x1F0];
	v21 =	vpop (erf)  }
0x3e: {  	v22 =	vld [tilespmem:$0x190];
	v24 =	vadd.f32 $1.000000000e+00, v21;
	(erf) = vrcp.f32 v23;
	v12 =	vpop (erf)  }
0x3f: {  	v12 =	vadd.f32 $1.000000000e+00, v12;
	v23 =	vld [tilespmem:$0x240];
	v14 =	vsel vm4, v14, v15;
	(erf) = vrcp.f32 v18;
	v15 =	vpop (erf)  }
0x40: {  	v18 =	vld [tilespmem:$0x110];
	v15 =	vadd.f32 $1.000000000e+00, v15;
	(erf) = vrcp.f32 v24;
	v21 =	vpop (erf)  }
0x41: {  	v19 =	vmul.f32 v19, v21;
	v21 =	vld [tilespmem:$0x170];
	(erf) = vrcp.f32 v12  }
0x42: {  	v12 =	vld [tilespmem:$0x1B0];
	(erf) = vrcp.f32 v15  }
0x43: {  	v15 =	vld [tilespmem:$0x180];
	v14 =	vmul.f32 v19, v14;
	v19 =	vsel vm11, $0x3F800000, v0;
	(erf) = vrcp.f32 v11  }
0x44: {  	vm4 =	vlt.f32 v10, $2.048000000e+03;
	v24 =	vsel vm8, $0x3F800000, v0;
	v11 =	vld [tilespmem:$0x100];
	v10 =	vsub.f32 v1, v23;
	v25 =	vpop (erf)  }
0x45: {  	v18 =	vsel vm9, v22, v18;
	v22 =	vsel vm10, $0x3F800000, v0;
	v26 =	vld [tilespmem:$0x1C0];
	[tilespmem:$0x450] =	vst v14;
	v14 =	vmul.f32 v24, v25  }
0x46: {  	vm7 =	vlt.f32 v9, $2.048000000e+03;
	v9 =	vld [tilespmem:$0x140];
	v10 =	vsel vm5, v23, v10;
	v25 =	vsel vm6, v20, v21  }
0x47: {  	v21 =	vsel vm7, $0x3F800000, v0;
	vm6 =	vlt.f32 v13, $2.048000000e+03;
	v13 =	vld [tilespmem:$0x130];
	v24 =	vmul.f32 v14, v25;
	v20 =	vpop (erf)  }
0x48: {  	v27 =	vmul.f32 v21, v20;
	v21 =	vsel vm6, $0x3F800000, v0;
	vm6 =	vlt.f32 v10, $2.048000000e+03;
	v10 =	vld [tilespmem:$0x160];
	v23 =	vpop (erf)  }
0x49: {  	v11 =	vsel vm2, v15, v11;
	v15 =	vmul.f32 v21, v23;
	v21 =	vld [tilespmem:$0x120];
	v25 =	vsel vm6, $0x3F800000, v0;
	[tilespmem:$0x470] =	vst v24;
	v14 =	vpop (erf)  }
0x4a: {  	v24 =	vsel vm4, $0x3F800000, v0;
	v11 =	vmul.f32 v27, v11;
	v14 =	vmul.f32 v25, v14;
	v23 =	vpop (erf)  }
0x4b: {  	v15 =	vmul.f32 v15, v18;
	v18 =	vmul.f32 v24, v23;
	v9 =	vsel vm5, v26, v9;
	v20 =	vpop (erf)  }
0x4c: {  	[tilespmem:$0x400] =	vst v11;
	v11 =	vsel vm3, v12, v13;
	v9 =	vmul.f32 v14, v9;
	v12 =	vmul.f32 v19, v20;
	v13 =	vpop (erf)  }
0x4d: {  	[tilespmem:$0x410] =	vst v15;
	v13 =	vmul.f32 v22, v13;
	v11 =	vmul.f32 v18, v11;
	v10 =	vsel vm0, v17, v10  }
0x4e: {  	v14 =	vsel vm1, v16, v21;
	[tilespmem:$0x440] =	vst v9;
	v9 =	vmul.f32 v12, v10  }
0x4f: {  	v10 =	vmul.f32 v13, v14;
	[tilespmem:$0x430] =	vst v11  }
0x50: {  	[tilespmem:$0x460] =	vst v9  }
0x51: {  	[tilespmem:$0x420] =	vst v10  }
0x52: {  	[hbm4b:s7+s2] =	stream.linear.scatter [tilespmem:s3], [sflag:$0x1], $0x80, $0x38;
	[tilespmem:$0x480] =	vst v63  }
0x53: {  	_ =	swait.ge [sflag:s4], $0x80  }
0x54: {  	[sflag:s4] =	ssyncset.done $0x0  }
0x55: {  	[sflag:s4] =	ssyncadd.s32 $0xFFFFFF80  }
0x56: {  	[tilespmem:s2], [sflag:$0x1] =	stream.strided.gather [hbm4b:s5+s3], $0x0, s6, s3, $0x38;
	[tilespmem:$0x480] =	vst v63  }
0x57: {  	_ = 	snop  }
0x58: {  	[tilespmem:s2], [sflag:$0x1] =	stream.linear.gather [hbm4b:s5+s2], $0x280, $0x38;
	[tilespmem:$0x480] =	vst v63  }
0x59: {  	_ =	swait.ge [sflag:s4], $0x280  }
0x5a: {  	[sflag:s4] =	ssyncset.done $0x0  }
0x5b: {  	[sflag:s4] =	ssyncadd.s32 $0xFFFFFD80  }
0x5c: {  	v12 =	vld [tilespmem:$0x260]  }
0x5d: {  	v9 =	vld [tilespmem:$0x200]  }
0x5e: {  	v13 =	vld [tilespmem:$0x250]  }
0x5f: {  	v17 =	vld [tilespmem:$0xF0]  }
0x60: {  	v18 =	vld [tilespmem:$0x270]  }
0x61: {  	v19 =	vld [tilespmem:$0x210]  }
0x62: {  	v10 =	vld [tilespmem:$0x230]  }
0x63: {  	v20 =	vld [tilespmem:$0xC0]  }
0x64: {  	v14 =	vld [tilespmem:$0xD0]  }
0x65: {  	v15 =	vld [tilespmem:$0x50]  }
0x66: {  	v16 =	vld [tilespmem:$0xE0]  }
0x67: {  	v21 =	vld [tilespmem:$0x60]  }
0x68: {  	v11 =	vsub.f32 v5, v10;
	v22 =	vld [tilespmem:$0x20]  }
0x69: {  	v25 =	vsub.f32 v7, v12;
	v23 =	vsub.f32 v3, v19;
	v24 =	vld [tilespmem:$0xA0]  }
0x6a: {  	v28 =	vsub.f32 v8, v18;
	v26 =	vld [tilespmem:$0x0];
	v27 =	vsub.f32 v14, v15  }
0x6b: {  	v29 =	vld [tilespmem:$0x70]  }
0x6c: {  	v30 =	vld [tilespmem:$0x10];
	v27 =	vand.u32 $0x7FFFFFFF, v27;
	vm0 =	vgt.f32 v16, v21;
	v16 =	vsub.f32 v16, v21  }
0x6d: {  	v21 =	vld [tilespmem:$0x80];
	v27 =	vsub.f32 $0.0e+00, v27;
	v12 =	vsel vm0, v12, v25  }
0x6e: {  	v25 =	vld [tilespmem:$0x90];
	vm1 =	vgt.f32 v24, v22;
	v22 =	vsub.f32 v24, v22;
	v16 =	vand.u32 $0x7FFFFFFF, v16  }
0x6f: {  	v31 =	vsub.f32 v6, v13;
	v24 =	vld [tilespmem:$0x40];
	v27 =	vmul.f32 $1.442695020e+00, v27;
	v16 =	vsub.f32 $0.0e+00, v16  }
0x70: {  	vm4 =	vgt.f32 v14, v15;
	v22 =	vand.u32 $0x7FFFFFFF, v22;
	v32 =	vld [tilespmem:$0x30];
	v15 =	vsub.f32 v17, v29  }
0x71: {  	v14 =	vsub.f32 v2, v9;
	v13 =	vsel vm4, v13, v31;
	v22 =	vsub.f32 $0.0e+00, v22;
	v33 =	vld [tilespmem:$0xB0]  }
0x72: {  	vm7 =	vlt.f32 v13, $2.048000000e+03;
	vm2 =	vgt.f32 v21, v26;
	(erf) = vpow2.f32 v27  }
0x73: {  	v13 =	vsub.f32 v21, v26;
	v15 =	vand.u32 $0x7FFFFFFF, v15;
	v21 =	vsub.f32 v25, v30  }
0x74: {  	v22 =	vmul.f32 $1.442695020e+00, v22;
	v27 =	vsub.f32 $0.0e+00, v15;
	v26 =	vsub.f32 v20, v24  }
0x75: {  	v15 =	vmul.f32 $1.442695020e+00, v16;
	v13 =	vand.u32 $0x7FFFFFFF, v13;
	v21 =	vand.u32 $0x7FFFFFFF, v21  }
0x76: {  	v13 =	vsub.f32 $0.0e+00, v13;
	v27 =	vmul.f32 $1.442695020e+00, v27;
	v31 =	vsub.f32 v33, v32  }
0x77: {  	v21 =	vsub.f32 $0.0e+00, v21;
	v26 =	vand.u32 $0x7FFFFFFF, v26;
	(erf) = vpow2.f32 v22  }
0x78: {  	vm6 =	vgt.f32 v17, v29;
	v34 =	vmul.f32 $1.442695020e+00, v13;
	v16 =	vld [tilespmem:$0x220];
	(erf) = vpow2.f32 v27  }
0x79: {  	v18 =	vsel vm6, v18, v28;
	v22 =	vsub.f32 $0.0e+00, v26;
	v17 =	vand.u32 $0x7FFFFFFF, v31  }
.Ltmp1:
0x7a: {  	vm8 =	vlt.f32 v18, $2.048000000e+03;
	v21 =	vmul.f32 $1.442695020e+00, v21;
	v17 =	vsub.f32 $0.0e+00, v17;
	(pc) =	sbr.rel @p0 .LBB2_1-.Ltmp1, $4  }
0x7b: {  	vm3 =	vgt.f32 v33, v32;
	v22 =	vmul.f32 $1.442695020e+00, v22;
	(erf) = vpow2.f32 v34;
	v13 =	vpop (erf)  }
0x7c: {  	v26 =	vmul.f32 $1.442695020e+00, v17;
	v17 =	vadd.f32 $1.000000000e+00, v13;
	(erf) = vpow2.f32 v21  }
0x7d: {  	vm9 =	vgt.f32 v25, v30;
	v18 =	vsub.f32 v4, v16;
	(erf) = vpow2.f32 v22  }
0x7e: {  	vm5 =	vgt.f32 v20, v24;
	v13 =	vsel vm9, v19, v23;
	(erf) = vpow2.f32 v26  }
.LBB2_2:
0x7f: {  	(erf) = vpow2.f32 v15;
	_ =	sdelay $0x1  }
0x80: {  	v2 =	vpop (erf)  }
0x81: {  	v4 =	vld [tilespmem:$0x1D0];
	v3 =	vpop (erf)  }
0x82: {  	v5 =	vld [tilespmem:$0x150];
	v3 =	vadd.f32 $1.000000000e+00, v3  }
0x83: {  	v7 =	vld [tilespmem:$0x1A0];
	(erf) = vrcp.f32 v17;
	v6 =	vpop (erf)  }
0x84: {  	v8 =	vld [tilespmem:$0x1E0];
	(erf) = vrcp.f32 v3;
	v28 =	vpop (erf);
	v6 =	vadd.f32 $1.000000000e+00, v6  }
0x85: {  	v16 =	vsel vm1, v16, v18;
	v10 =	vsel vm3, v10, v11;
	v30 =	vld [tilespmem:$0x1F0];
	v29 =	vpop (erf);
	v3 =	vadd.f32 $1.000000000e+00, v28  }
0x86: {  	v9 =	vsel vm2, v9, v14;
	v32 =	vld [tilespmem:$0x190];
	v31 =	vpop (erf);
	v15 =	vadd.f32 $1.000000000e+00, v29;
	(erf) = vrcp.f32 v6  }
0x87: {  	v34 =	vsel vm7, $0x3F800000, v0;
	v19 =	vld [tilespmem:$0x240];
	v33 =	vpop (erf);
	v17 =	vadd.f32 $1.000000000e+00, v31;
	(erf) = vrcp.f32 v3  }
0x88: {  	v36 =	vld [tilespmem:$0x110];
	vm10 =	vlt.f32 v12, $2.048000000e+03;
	(erf) = vrcp.f32 v15;
	v6 =	vadd.f32 $1.000000000e+00, v33  }
0x89: {  	v37 =	vld [tilespmem:$0x170];
	v42 =	vsel vm8, $0x3F800000, v0;
	v2 =	vadd.f32 $1.000000000e+00, v2;
	(erf) = vrcp.f32 v17  }
0x8a: {  	v38 =	vld [tilespmem:$0x1B0];
	vm14 =	vlt.f32 v13, $2.048000000e+03;
	vm15 =	vlt.f32 v16, $2.048000000e+03;
	(erf) = vrcp.f32 v6  }
0x8b: {  	v39 =	vld [tilespmem:$0x180];
	v40 =	vsel vm10, $0x3F800000, v0;
	vm12 =	vlt.f32 v10, $2.048000000e+03;
	(erf) = vrcp.f32 v2  }
0x8c: {  	v41 =	vld [tilespmem:$0x100];
	vm13 =	vlt.f32 v9, $2.048000000e+03;
	v50 =	vsel vm14, $0x3F800000, v0;
	v44 =	vsel vm15, $0x3F800000, v0;
	v35 =	vpop (erf)  }
0x8d: {  	v45 =	vld [tilespmem:$0x1C0];
	v47 =	vsel vm13, $0x3F800000, v0;
	v1 =	vsub.f32 v1, v19;
	v3 =	vmul.f32 v34, v35;
	v43 =	vpop (erf)  }
0x8e: {  	v46 =	vld [tilespmem:$0x140];
	v57 =	vsel vm12, $0x3F800000, v0;
	v4 =	vsel vm4, v4, v5;
	v10 =	vmul.f32 v42, v43  }
0x8f: {  	v48 =	vld [tilespmem:$0x130];
	v11 =	vsel vm6, v30, v37;
	v1 =	vsel vm5, v19, v1;
	v3 =	vmul.f32 v3, v4;
	v49 =	vpop (erf)  }
0x90: {  	v51 =	vld [tilespmem:$0x160];
	vm15 =	vlt.f32 v1, $2.048000000e+03;
	v10 =	vmul.f32 v10, v11;
	v11 =	vmul.f32 v47, v49;
	v52 =	vpop (erf)  }
0x91: {  	v54 =	vld [tilespmem:$0x120];
	v55 =	vsel vm15, $0x3F800000, v0;
	v2 =	vsel vm2, v39, v41;
	v53 =	vmul.f32 v50, v52;
	v56 =	vpop (erf)  }
0x92: {  	v14 =	vsel vm9, v32, v36;
	[tilespmem:$0x450] =	vst v3;
	v2 =	vmul.f32 v11, v2;
	v58 =	vmul.f32 v55, v56;
	v59 =	vpop (erf)  }
0x93: {  	v9 =	vsel vm5, v45, v46;
	[tilespmem:$0x470] =	vst v10;
	v6 =	vmul.f32 v53, v14;
	v0 =	vmul.f32 v57, v59;
	v60 =	vpop (erf)  }
0x94: {  	v61 =	vsel vm3, v38, v48;
	[tilespmem:$0x400] =	vst v2;
	v3 =	vmul.f32 v58, v9;
	v4 =	vmul.f32 v40, v60;
	v62 =	vpop (erf)  }
0x95: {  	v1 =	vsel vm0, v8, v51;
	[tilespmem:$0x410] =	vst v6;
	v5 =	vmul.f32 v44, v62;
	v0 =	vmul.f32 v0, v61  }
0x96: {  	v63 =	vsel vm1, v7, v54;
	[tilespmem:$0x440] =	vst v3;
	v1 =	vmul.f32 v4, v1  }
0x97: {  	v2 =	vmul.f32 v5, v63;
	[tilespmem:$0x430] =	vst v0  }
0x98: {  	[tilespmem:$0x460] =	vst v1  }
0x99: {  	[tilespmem:$0x420] =	vst v2  }
0x9a: {  	[hbm4b:s7+s2] =	stream.linear.scatter [tilespmem:s3], [sflag:$0x1], $0x80, $0x38;
	[tilespmem:$0x480] =	vst v63  }
0x9b: {  	_ =	swait.ge [sflag:s4], $0x80  }
0x9c: {  	[sflag:s4] =	ssyncset.done $0x0  }
0x9d: {  	[sflag:s4] =	ssyncadd.s32 $0xFFFFFF80  }
0x9e: {  	_ =	sfence.sel $0x180000  }
0x9f: {  	[bflag:$0x0] =	sbarrier.arrive $0xFFFF  }
0xa0: {  	p0 =	sne.s32 s1, $0x0;
	_ =	strace $0x90000047  }
0xa1: {  	s0 =	sadd.s32 @!p0 $0x100000, s0;
	[bflag:$0x2] =	sbarrier.arrive $0xFFFF  }
0xa2: {  	[sflag:s0] =	ssyncadd.tile.s32 @!p0 $0x1;
	_ =	shalt  }
.Lfunc_end2:
_tile_overlayer_lowered:
.L_overlay_start_2:
0xa3: {  	(tag) =	ssettag $0x2  }
0xa4: {  	s0 =	rddreg [dreg:$0x0];
	s2 =	stileid.u32  }
0xa5: {  	s1 =	rddreg [dreg:$0x1];
	p0 =	sne.s32 s2, $0x0  }
0xa6: {  	s3 =	rddreg [dreg:$0x2];
	[bflag:$0x3] =	sbarrier.arrive $0xFFFF;
	s2 =	simm.s32 @!p0 $0x1C01  }
0xa7: {  	[timem:s3], [sflag:s2] =	dma.local @!p0 [hbm:s0], s1  }
0xa8: {  	s0 =	simm.s32 @!p0 $0x1  }
0xa9: {  	_ =	swait.ge @!p0 [sflag:s0], s1  }
0xaa: {  	s1 =	ssub.s32 @!p0 $0x0, s1;
	[sflag:s0] =	ssyncset.done @!p0 $0x0  }
0xab: {  	[sflag:s0] =	ssyncadd.s32 @!p0 s1  }
0xac: {  	[bflag:$0x3] =	sbarrier.arrive $0xFFFF  }
0xad: {  	_ =	shalt  }

</sc_bundles>
